<compile_context>
chip_gen: v7x
topology: tpu7x:2x2x1
jax: 0.10.2.dev20260603
libtpu: 0.0.44.dev20260713+nightly
codegen_flags: <defaults>
</compile_context>

<pallas_src>
import functools

import jax
import jax.numpy as jnp
from jax import lax
from jax.experimental import pallas as pl
from jax.experimental.pallas import tpu as pltpu
from jax.experimental.pallas import tpu_sc as plsc

N = 2048
F_IN = 512
HID = 256
HEADS = 2
E = 16384
NEG_SLOPE = 0.2

_NC, _NS, _L = 2, 16, 16
_NW = _NC * _NS
_BAND = 32
_PASSES = N // (_NW * _BAND)

_BM = 256
_BK = 512
_BKA = 1024
_BMA = 512

_UNROLL = 8


@functools.cache
def _edge_counts_kernel():
    mesh = plsc.VectorSubcoreMesh(
        core_axis_name="c", subcore_axis_name="s",
        num_cores=_NC, num_subcores=_NS)

    @functools.partial(
        pl.kernel,
        out_type=jax.ShapeDtypeStruct((N, N), jnp.float32),
        mesh=mesh,
        scratch_types=[
            pltpu.VMEM((E,), jnp.int32),
            pltpu.VMEM((E,), jnp.int32),
            pltpu.VMEM((_BAND, N), jnp.float32),
            pltpu.SemaphoreType.DMA,
        ],
        compiler_params=pltpu.CompilerParams(needs_layout_passes=False),
    )
    def _edge_counts(edge_hbm, c_hbm, dstv, srcv, band, sem):
        wid = lax.axis_index("s") * _NC + lax.axis_index("c")
        cp_d = pltpu.async_copy(edge_hbm.at[1], dstv, sem)
        cp_s = pltpu.async_copy(edge_hbm.at[0], srcv, sem)
        ones = jnp.ones((_L,), jnp.float32)
        zeros = jnp.zeros((_L,), jnp.float32)

        def zero_band():
            @plsc.parallel_loop(0, N // _L, unroll=8)
            def zbody(i):
                for r in range(_BAND):
                    band[r, pl.ds(i * _L, _L)] = zeros

        zero_band()
        cp_d.wait()
        cp_s.wait()
        for p in range(_PASSES):
            base = (wid * _PASSES + p) * _BAND
            if p > 0:
                zero_band()

            @plsc.parallel_loop(0, E // _L, unroll=_UNROLL)
            def body(i, base=base):
                d = dstv[pl.ds(i * _L, _L)]
                s = srcv[pl.ds(i * _L, _L)]
                ru = (d - base).astype(jnp.uint32)
                m = ru < _BAND
                rc = jnp.minimum(ru, _BAND - 1).astype(jnp.int32)
                plsc.addupdate_scatter(band, [rc, s], ones, mask=m)

            pltpu.sync_copy(band, c_hbm.at[pl.ds(base, _BAND)])

    return _edge_counts


def _mm1_body(x_ref, w_ref, asrc_ref, adst_ref, w2_ref, att2_ref,
              xw_ref, a_ref, at_ref, wa2_ref):
    g = pl.program_id(0)

    @pl.when(g == 0)
    def _init():
        wa2_ref[...] = jnp.zeros_like(wa2_ref)

    xw = jnp.dot(x_ref[...], w_ref[...], preferred_element_type=jnp.float32)
    xw_ref[...] = xw.astype(jnp.bfloat16)
    cols = []
    for att in (asrc_ref, adst_ref):
        for h in range(HEADS):
            xwh = xw[:, h * HID:(h + 1) * HID]
            cols.append(jnp.sum(xwh * att[h:h + 1, :], axis=1, keepdims=True))
    pad = jnp.zeros((xw.shape[0], 128 - 2 * HEADS), jnp.float32)
    a = jnp.concatenate(cols + [pad], axis=1)
    a_ref[...] = a
    at_ref[...] = a.T
    wa2_ref[...] += jnp.dot(w2_ref[...], att2_ref[...],
                            preferred_element_type=jnp.float32)


def _mm1(x, W1, asrc, adst, W2, att2cols):
    return pl.pallas_call(
        _mm1_body,
        grid=(N // _BM,),
        in_specs=[
            pl.BlockSpec((_BM, F_IN), lambda i: (i, 0)),
            pl.BlockSpec((F_IN, HEADS * HID), lambda i: (0, 0)),
            pl.BlockSpec((HEADS, HID), lambda i: (0, 0)),
            pl.BlockSpec((HEADS, HID), lambda i: (0, 0)),
            pl.BlockSpec((HEADS * HID, _BK), lambda i: (0, i)),
            pl.BlockSpec((_BK, 128), lambda i: (i, 0)),
        ],
        out_specs=[
            pl.BlockSpec((_BM, HEADS * HID), lambda i: (i, 0)),
            pl.BlockSpec((_BM, 128), lambda i: (i, 0)),
            pl.BlockSpec((128, _BM), lambda i: (0, i)),
            pl.BlockSpec((HEADS * HID, 128), lambda i: (0, 0)),
        ],
        out_shape=[
            jax.ShapeDtypeStruct((N, HEADS * HID), jnp.bfloat16),
            jax.ShapeDtypeStruct((N, 128), jnp.float32),
            jax.ShapeDtypeStruct((128, N), jnp.float32),
            jax.ShapeDtypeStruct((HEADS * HID, 128), jnp.float32),
        ],
    )(x, W1, asrc, adst, W2, att2cols)


def _exp_block(a_ref, at_ref, c, h):
    t = at_ref[h:h + 1, :] + a_ref[:, HEADS + h:HEADS + h + 1]
    e = jnp.maximum(t, NEG_SLOPE * t)
    return c * jnp.exp(e)


def _agg1_body(a_ref, at_ref, c_ref, v_ref, wa2_ref, b1_ref,
               h_ref, a2_ref, a2t_ref):
    c = c_ref[...]
    v = v_ref[...]
    parts = []
    for h in range(HEADS):
        ex = _exp_block(a_ref, at_ref, c, h)
        u = jnp.dot(ex.astype(jnp.bfloat16), v[:, h * HID:(h + 1) * HID],
                    preferred_element_type=jnp.float32)
        den = jnp.sum(ex, axis=1, keepdims=True)
        parts.append(u / (den + 1e-16))
    val = jnp.concatenate(parts, axis=1) + b1_ref[...]
    hval = jnp.where(val > 0.0, val, jnp.exp(jnp.minimum(val, 0.0)) - 1.0)
    h_ref[...] = hval.astype(jnp.bfloat16)
    a2 = jnp.dot(hval, wa2_ref[...], preferred_element_type=jnp.float32)
    a2_ref[...] = a2
    a2t_ref[...] = a2.T


def _agg1(a1, a1T, C, xw1, wa2, b1):
    return pl.pallas_call(
        _agg1_body,
        grid=(N // _BMA,),
        in_specs=[
            pl.BlockSpec((_BMA, 128), lambda i: (i, 0)),
            pl.BlockSpec((128, N), lambda i: (0, 0)),
            pl.BlockSpec((_BMA, N), lambda i: (i, 0)),
            pl.BlockSpec((N, HEADS * HID), lambda i: (0, 0)),
            pl.BlockSpec((HEADS * HID, 128), lambda i: (0, 0)),
            pl.BlockSpec((1, HEADS * HID), lambda i: (0, 0)),
        ],
        out_specs=[
            pl.BlockSpec((_BMA, HEADS * HID), lambda i: (i, 0)),
            pl.BlockSpec((_BMA, 128), lambda i: (i, 0)),
            pl.BlockSpec((128, _BMA), lambda i: (0, i)),
        ],
        out_shape=[
            jax.ShapeDtypeStruct((N, HEADS * HID), jnp.bfloat16),
            jax.ShapeDtypeStruct((N, 128), jnp.float32),
            jax.ShapeDtypeStruct((128, N), jnp.float32),
        ],
    )(a1, a1T, C, xw1, wa2, b1)


def _agg2_body(a_ref, at_ref, c_ref, v_ref, out_ref):
    c = c_ref[...]
    v = v_ref[...]
    d = v.shape[1]
    parts = []
    for h in range(HEADS):
        ex = _exp_block(a_ref, at_ref, c, h)
        u = jnp.dot(ex.astype(jnp.bfloat16), v,
                    preferred_element_type=jnp.float32)
        den = jnp.sum(ex, axis=1, keepdims=True)
        parts.append((u / (den + 1e-16)).astype(jnp.bfloat16))
    out_ref[...] = jnp.concatenate(parts, axis=1)


def _agg2(a2, a2T, C, hfeat):
    d = HEADS * HID
    return pl.pallas_call(
        _agg2_body,
        grid=(N // _BMA,),
        in_specs=[
            pl.BlockSpec((_BMA, 128), lambda i: (i, 0)),
            pl.BlockSpec((128, N), lambda i: (0, 0)),
            pl.BlockSpec((_BMA, N), lambda i: (i, 0)),
            pl.BlockSpec((N, d), lambda i: (0, 0)),
        ],
        out_specs=pl.BlockSpec((_BMA, HEADS * d), lambda i: (i, 0)),
        out_shape=jax.ShapeDtypeStruct((N, HEADS * d), jnp.bfloat16),
    )(a2, a2T, C, hfeat)


def _mm2_body(agg_ref, w_ref, b2_ref, out_ref):
    d = HEADS * HID
    acc = jnp.dot(agg_ref[:, :d], w_ref[:, :N],
                  preferred_element_type=jnp.float32)
    acc += jnp.dot(agg_ref[:, d:], w_ref[:, N:],
                   preferred_element_type=jnp.float32)
    out_ref[...] = 0.5 * acc + b2_ref[...]


def _mm2(agg, W2, b2):
    d = HEADS * HID
    return pl.pallas_call(
        _mm2_body,
        grid=(N // _BMA,),
        in_specs=[
            pl.BlockSpec((_BMA, HEADS * d), lambda i: (i, 0)),
            pl.BlockSpec((d, HEADS * N), lambda i: (0, 0)),
            pl.BlockSpec((1, N), lambda i: (0, 0)),
        ],
        out_specs=pl.BlockSpec((_BMA, N), lambda i: (i, 0)),
        out_shape=jax.ShapeDtypeStruct((N, N), jnp.float32),
    )(agg, W2, b2)


def kernel(x, edge_index, W1, att_src1, att_dst1, bias1,
           W2, att_src2, att_dst2, bias2):
    C = _edge_counts_kernel()(edge_index)

    z = jnp.zeros((N,), jnp.float32)
    att2cols = jnp.stack(
        [jnp.concatenate([att_src2[0, 0], z]),
         jnp.concatenate([z, att_src2[0, 1]]),
         jnp.concatenate([att_dst2[0, 0], z]),
         jnp.concatenate([z, att_dst2[0, 1]])], axis=1)
    att2cols = jnp.pad(att2cols, ((0, 0), (0, 128 - 2 * HEADS)))

    xw1, a1, a1T, wa2 = _mm1(x, W1, att_src1[0], att_dst1[0], W2, att2cols)
    hfeat, a2, a2T = _agg1(a1, a1T, C, xw1, wa2,
                           bias1.reshape(1, HEADS * HID))
    agg2 = _agg2(a2, a2T, C, hfeat)

    return _mm2(agg2, W2, bias2.reshape(1, N))

# --- scband reference (transcript-rebuilt; emitter-appended) ---
"""Pipeline reference for scband-gat-24713241821309 (READ-ONLY COPY).

The authoritative reference and input builder live on the scoring server;
editing this copy changes nothing except your own understanding.
"""

import jax, jax.numpy as jnp
import numpy as np

N = 2048
F_IN = 512
HID = 256
HEADS = 2
E = 16384
NEG_SLOPE = 0.2


def setup_inputs(seed: int = 0) -> dict:
    key = jax.random.key(seed)
    ks = jax.random.split(key, 10)
    x = jax.random.normal(ks[0], (N, F_IN), dtype=jnp.float32)
    edge_index = jax.random.randint(ks[1], (2, E), 0, N, dtype=jnp.int32)
    s1 = 1.0 / np.sqrt(F_IN)
    W1 = jax.random.normal(ks[2], (F_IN, HEADS * HID), dtype=jnp.float32) * s1
    att_src1 = jax.random.normal(ks[3], (1, HEADS, HID), dtype=jnp.float32) * (1.0 / np.sqrt(HID))
    att_dst1 = jax.random.normal(ks[4], (1, HEADS, HID), dtype=jnp.float32) * (1.0 / np.sqrt(HID))
    bias1 = jnp.zeros((HEADS * HID,), dtype=jnp.float32)
    s2 = 1.0 / np.sqrt(HEADS * HID)
    W2 = jax.random.normal(ks[5], (HEADS * HID, HEADS * N), dtype=jnp.float32) * s2
    att_src2 = jax.random.normal(ks[6], (1, HEADS, N), dtype=jnp.float32) * (1.0 / np.sqrt(N))
    att_dst2 = jax.random.normal(ks[7], (1, HEADS, N), dtype=jnp.float32) * (1.0 / np.sqrt(N))
    bias2 = jnp.zeros((N,), dtype=jnp.float32)
    return {"x": x, "edge_index": edge_index, "W1": W1, "att_src1": att_src1, "att_dst1": att_dst1, "bias1": bias1, "W2": W2, "att_src2": att_src2, "att_dst2": att_dst2, "bias2": bias2}


def _gat_conv(x, W, att_src, att_dst, bias, src, dst, heads, out_ch, concat):
    n = x.shape[0]
    xw = (x @ W).reshape(n, heads, out_ch)
    a_src = jnp.sum(xw * att_src, axis=-1)
    a_dst = jnp.sum(xw * att_dst, axis=-1)
    e = a_src[src] + a_dst[dst]
    e = jnp.where(e > 0, e, NEG_SLOPE * e)
    emax = jax.ops.segment_max(e, dst, num_segments=n)
    emax = jnp.where(jnp.isfinite(emax), emax, 0.0)
    emax = jax.lax.stop_gradient(emax)
    ex = jnp.exp(e - emax[dst])
    denom = jax.ops.segment_sum(ex, dst, num_segments=n)
    alpha = ex / (denom[dst] + 1e-16)
    msg = xw[src] * alpha[:, :, None]
    out = jax.ops.segment_sum(msg, dst, num_segments=n)
    if concat:
        out = out.reshape(n, heads * out_ch)
    else:
        out = out.mean(axis=1)
    return out + bias


def reference(x, edge_index, W1, att_src1, att_dst1, bias1, W2, att_src2, att_dst2, bias2):
    src = edge_index[0]
    dst = edge_index[1]
    h = _gat_conv(x, W1, att_src1, att_dst1, bias1, src, dst, HEADS, HID, True)
    h = jax.nn.elu(h)
    out = _gat_conv(h, W2, att_src2, att_dst2, bias2, src, dst, HEADS, N, False)
    return out

if __name__ == "__main__":
    import jax
    _d = setup_inputs()
    print(jax.jit(kernel)(*tuple(_d.values())))

</pallas_src>

<mosaic_0001>
#map = affine_map<(d0, d1) -> (0, 0)>
module attributes {stable_mosaic.version = 14 : i64} {
  func.func @_edge_counts(%arg0: i32, %arg1: i32, %arg2: memref<2x16384xi32, #tpu.memory_space<hbm>>, %arg3: memref<2048x2048xf32, #tpu.memory_space<hbm>>, %arg4: memref<16384xi32, #tpu.memory_space<vmem>>, %arg5: memref<16384xi32, #tpu.memory_space<vmem>>, %arg6: memref<32x2048xf32, #tpu.memory_space<vmem>>, %arg7: memref<!tpu.dma_semaphore, #tpu.memory_space<semaphore_mem>>) attributes {dimension_semantics = [#tpu.dimension_semantics<core_parallel>, #tpu.dimension_semantics<subcore_parallel>], iteration_bounds = array<i64: 2, 16>, scalar_prefetch = 0 : i64, scratch_operands = 4 : i64, tpu.core_type = #tpu.core_type<sc_vector_subcore>, window_params = [{transform_indices = #map}, {transform_indices = #map}]} {
    %mul3A = arith.constant 2 : i32
    %mul3A_0 = arith.muli %arg1, %mul3A : i32
    %add3A = arith.addi %mul3A_0, %arg0 : i32
    %dma_start3A = arith.constant 1 : i32
    %dma_start3A_1 = arith.constant 0 : i32
    %dma_start3A_2 = tpu.memref_slice %arg2[%dma_start3A, %dma_start3A_1] : memref<2x16384xi32, #tpu.memory_space<hbm>> -> memref<1x16384xi32, #tpu.memory_space<hbm>>
    %dma_start3A_3 = tpu.memref_squeeze %dma_start3A_2 : memref<1x16384xi32, #tpu.memory_space<hbm>> -> memref<16384xi32, #tpu.memory_space<hbm>>
    %dma_start3A_4 = arith.constant 0 : i32
    %dma_start3A_5 = tpu.memref_slice %arg2[%dma_start3A, %dma_start3A_4] : memref<2x16384xi32, #tpu.memory_space<hbm>> -> memref<1x16384xi32, #tpu.memory_space<hbm>>
    %dma_start3A_6 = tpu.memref_squeeze %dma_start3A_5 : memref<1x16384xi32, #tpu.memory_space<hbm>> -> memref<16384xi32, #tpu.memory_space<hbm>>
    tpu.enqueue_dma source(%dma_start3A_6 : memref<16384xi32, #tpu.memory_space<hbm>>) target(%arg4 : memref<16384xi32, #tpu.memory_space<vmem>>) target_semaphore(%arg7 : memref<!tpu.dma_semaphore, #tpu.memory_space<semaphore_mem>>)
    %dma_start3A_7 = arith.constant 0 : i32
    %dma_start3A_8 = arith.constant 0 : i32
    %dma_start3A_9 = tpu.memref_slice %arg2[%dma_start3A_7, %dma_start3A_8] : memref<2x16384xi32, #tpu.memory_space<hbm>> -> memref<1x16384xi32, #tpu.memory_space<hbm>>
    %dma_start3A_10 = tpu.memref_squeeze %dma_start3A_9 : memref<1x16384xi32, #tpu.memory_space<hbm>> -> memref<16384xi32, #tpu.memory_space<hbm>>
    %dma_start3A_11 = arith.constant 0 : i32
    %dma_start3A_12 = tpu.memref_slice %arg2[%dma_start3A_7, %dma_start3A_11] : memref<2x16384xi32, #tpu.memory_space<hbm>> -> memref<1x16384xi32, #tpu.memory_space<hbm>>
    %dma_start3A_13 = tpu.memref_squeeze %dma_start3A_12 : memref<1x16384xi32, #tpu.memory_space<hbm>> -> memref<16384xi32, #tpu.memory_space<hbm>>
    tpu.enqueue_dma source(%dma_start3A_13 : memref<16384xi32, #tpu.memory_space<hbm>>) target(%arg5 : memref<16384xi32, #tpu.memory_space<vmem>>) target_semaphore(%arg7 : memref<!tpu.dma_semaphore, #tpu.memory_space<semaphore_mem>>)
    %broadcast_in_dim3A = arith.constant 1.000000e+00 : f32
    %broadcast_in_dim3A_14 = vector.broadcast %broadcast_in_dim3A : f32 to vector<16xf32>
    %broadcast_in_dim3A_15 = arith.constant 0.000000e+00 : f32
    %broadcast_in_dim3A_16 = vector.broadcast %broadcast_in_dim3A_15 : f32 to vector<16xf32>
    %parallel_loop3A = arith.constant 0 : i32
    %parallel_loop3A_17 = arith.constant 128 : i32
    %parallel_loop3A_18 = arith.constant 1 : i32
    scf.for %parallel_loop3A_53 = %parallel_loop3A to %parallel_loop3A_17 step %parallel_loop3A_18  : i32 {
      %parallel_loop3A_54 = arith.constant 16 : i32
      %parallel_loop3A_55 = arith.muli %parallel_loop3A_53, %parallel_loop3A_54 : i32
      %parallel_loop3A_56 = arith.constant 0 : i32
      %parallel_loop3A_57 = arith.index_cast %parallel_loop3A_56 : i32 to index
      %parallel_loop3A_58 = arith.index_cast %parallel_loop3A_55 : i32 to index
      %parallel_loop3A_59 = tpu.vector_load %arg6[%parallel_loop3A_57, %parallel_loop3A_58] {strides = array<i32>} : memref<32x2048xf32, #tpu.memory_space<vmem>>, vector<16xf32>,
      tpu.vector_store %arg6[%parallel_loop3A_57, %parallel_loop3A_58], %broadcast_in_dim3A_16 {strides = array<i32>} : memref<32x2048xf32, #tpu.memory_space<vmem>>, vector<16xf32>,
      %parallel_loop3A_60 = arith.constant 16 : i32
      %parallel_loop3A_61 = arith.muli %parallel_loop3A_53, %parallel_loop3A_60 : i32
      %parallel_loop3A_62 = arith.constant 1 : i32
      %parallel_loop3A_63 = arith.index_cast %parallel_loop3A_62 : i32 to index
      %parallel_loop3A_64 = arith.index_cast %parallel_loop3A_61 : i32 to index
      %parallel_loop3A_65 = tpu.vector_load %arg6[%parallel_loop3A_63, %parallel_loop3A_64] {strides = array<i32>} : memref<32x2048xf32, #tpu.memory_space<vmem>>, vector<16xf32>,
      tpu.vector_store %arg6[%parallel_loop3A_63, %parallel_loop3A_64], %broadcast_in_dim3A_16 {strides = array<i32>} : memref<32x2048xf32, #tpu.memory_space<vmem>>, vector<16xf32>,
      %parallel_loop3A_66 = arith.constant 16 : i32
      %parallel_loop3A_67 = arith.muli %parallel_loop3A_53, %parallel_loop3A_66 : i32
      %parallel_loop3A_68 = arith.constant 2 : i32
      %parallel_loop3A_69 = arith.index_cast %parallel_loop3A_68 : i32 to index
      %parallel_loop3A_70 = arith.index_cast %parallel_loop3A_67 : i32 to index
      %parallel_loop3A_71 = tpu.vector_load %arg6[%parallel_loop3A_69, %parallel_loop3A_70] {strides = array<i32>} : memref<32x2048xf32, #tpu.memory_space<vmem>>, vector<16xf32>,
      tpu.vector_store %arg6[%parallel_loop3A_69, %parallel_loop3A_70], %broadcast_in_dim3A_16 {strides = array<i32>} : memref<32x2048xf32, #tpu.memory_space<vmem>>, vector<16xf32>,
      %parallel_loop3A_72 = arith.constant 16 : i32
      %parallel_loop3A_73 = arith.muli %parallel_loop3A_53, %parallel_loop3A_72 : i32
      %parallel_loop3A_74 = arith.constant 3 : i32
      %parallel_loop3A_75 = arith.index_cast %parallel_loop3A_74 : i32 to index
      %parallel_loop3A_76 = arith.index_cast %parallel_loop3A_73 : i32 to index
      %parallel_loop3A_77 = tpu.vector_load %arg6[%parallel_loop3A_75, %parallel_loop3A_76] {strides = array<i32>} : memref<32x2048xf32, #tpu.memory_space<vmem>>, vector<16xf32>,
      tpu.vector_store %arg6[%parallel_loop3A_75, %parallel_loop3A_76], %broadcast_in_dim3A_16 {strides = array<i32>} : memref<32x2048xf32, #tpu.memory_space<vmem>>, vector<16xf32>,
      %parallel_loop3A_78 = arith.constant 16 : i32
      %parallel_loop3A_79 = arith.muli %parallel_loop3A_53, %parallel_loop3A_78 : i32
      %parallel_loop3A_80 = arith.constant 4 : i32
      %parallel_loop3A_81 = arith.index_cast %parallel_loop3A_80 : i32 to index
      %parallel_loop3A_82 = arith.index_cast %parallel_loop3A_79 : i32 to index
      %parallel_loop3A_83 = tpu.vector_load %arg6[%parallel_loop3A_81, %parallel_loop3A_82] {strides = array<i32>} : memref<32x2048xf32, #tpu.memory_space<vmem>>, vector<16xf32>,
      tpu.vector_store %arg6[%parallel_loop3A_81, %parallel_loop3A_82], %broadcast_in_dim3A_16 {strides = array<i32>} : memref<32x2048xf32, #tpu.memory_space<vmem>>, vector<16xf32>,
      %parallel_loop3A_84 = arith.constant 16 : i32
      %parallel_loop3A_85 = arith.muli %parallel_loop3A_53, %parallel_loop3A_84 : i32
      %parallel_loop3A_86 = arith.constant 5 : i32
      %parallel_loop3A_87 = arith.index_cast %parallel_loop3A_86 : i32 to index
      %parallel_loop3A_88 = arith.index_cast %parallel_loop3A_85 : i32 to index
      %parallel_loop3A_89 = tpu.vector_load %arg6[%parallel_loop3A_87, %parallel_loop3A_88] {strides = array<i32>} : memref<32x2048xf32, #tpu.memory_space<vmem>>, vector<16xf32>,
      tpu.vector_store %arg6[%parallel_loop3A_87, %parallel_loop3A_88], %broadcast_in_dim3A_16 {strides = array<i32>} : memref<32x2048xf32, #tpu.memory_space<vmem>>, vector<16xf32>,
      %parallel_loop3A_90 = arith.constant 16 : i32
      %parallel_loop3A_91 = arith.muli %parallel_loop3A_53, %parallel_loop3A_90 : i32
      %parallel_loop3A_92 = arith.constant 6 : i32
      %parallel_loop3A_93 = arith.index_cast %parallel_loop3A_92 : i32 to index
      %parallel_loop3A_94 = arith.index_cast %parallel_loop3A_91 : i32 to index
      %parallel_loop3A_95 = tpu.vector_load %arg6[%parallel_loop3A_93, %parallel_loop3A_94] {strides = array<i32>} : memref<32x2048xf32, #tpu.memory_space<vmem>>, vector<16xf32>,
      tpu.vector_store %arg6[%parallel_loop3A_93, %parallel_loop3A_94], %broadcast_in_dim3A_16 {strides = array<i32>} : memref<32x2048xf32, #tpu.memory_space<vmem>>, vector<16xf32>,
      %parallel_loop3A_96 = arith.constant 16 : i32
      %parallel_loop3A_97 = arith.muli %parallel_loop3A_53, %parallel_loop3A_96 : i32
      %parallel_loop3A_98 = arith.constant 7 : i32
      %parallel_loop3A_99 = arith.index_cast %parallel_loop3A_98 : i32 to index
      %parallel_loop3A_100 = arith.index_cast %parallel_loop3A_97 : i32 to index
      %parallel_loop3A_101 = tpu.vector_load %arg6[%parallel_loop3A_99, %parallel_loop3A_100] {strides = array<i32>} : memref<32x2048xf32, #tpu.memory_space<vmem>>, vector<16xf32>,
      tpu.vector_store %arg6[%parallel_loop3A_99, %parallel_loop3A_100], %broadcast_in_dim3A_16 {strides = array<i32>} : memref<32x2048xf32, #tpu.memory_space<vmem>>, vector<16xf32>,
      %parallel_loop3A_102 = arith.constant 16 : i32
      %parallel_loop3A_103 = arith.muli %parallel_loop3A_53, %parallel_loop3A_102 : i32
      %parallel_loop3A_104 = arith.constant 8 : i32
      %parallel_loop3A_105 = arith.index_cast %parallel_loop3A_104 : i32 to index
      %parallel_loop3A_106 = arith.index_cast %parallel_loop3A_103 : i32 to index
      %parallel_loop3A_107 = tpu.vector_load %arg6[%parallel_loop3A_105, %parallel_loop3A_106] {strides = array<i32>} : memref<32x2048xf32, #tpu.memory_space<vmem>>, vector<16xf32>,
      tpu.vector_store %arg6[%parallel_loop3A_105, %parallel_loop3A_106], %broadcast_in_dim3A_16 {strides = array<i32>} : memref<32x2048xf32, #tpu.memory_space<vmem>>, vector<16xf32>,
      %parallel_loop3A_108 = arith.constant 16 : i32
      %parallel_loop3A_109 = arith.muli %parallel_loop3A_53, %parallel_loop3A_108 : i32
      %parallel_loop3A_110 = arith.constant 9 : i32
      %parallel_loop3A_111 = arith.index_cast %parallel_loop3A_110 : i32 to index
      %parallel_loop3A_112 = arith.index_cast %parallel_loop3A_109 : i32 to index
      %parallel_loop3A_113 = tpu.vector_load %arg6[%parallel_loop3A_111, %parallel_loop3A_112] {strides = array<i32>} : memref<32x2048xf32, #tpu.memory_space<vmem>>, vector<16xf32>,
      tpu.vector_store %arg6[%parallel_loop3A_111, %parallel_loop3A_112], %broadcast_in_dim3A_16 {strides = array<i32>} : memref<32x2048xf32, #tpu.memory_space<vmem>>, vector<16xf32>,
      %parallel_loop3A_114 = arith.constant 16 : i32
      %parallel_loop3A_115 = arith.muli %parallel_loop3A_53, %parallel_loop3A_114 : i32
      %parallel_loop3A_116 = arith.constant 10 : i32
      %parallel_loop3A_117 = arith.index_cast %parallel_loop3A_116 : i32 to index
      %parallel_loop3A_118 = arith.index_cast %parallel_loop3A_115 : i32 to index
      %parallel_loop3A_119 = tpu.vector_load %arg6[%parallel_loop3A_117, %parallel_loop3A_118] {strides = array<i32>} : memref<32x2048xf32, #tpu.memory_space<vmem>>, vector<16xf32>,
      tpu.vector_store %arg6[%parallel_loop3A_117, %parallel_loop3A_118], %broadcast_in_dim3A_16 {strides = array<i32>} : memref<32x2048xf32, #tpu.memory_space<vmem>>, vector<16xf32>,
      %parallel_loop3A_120 = arith.constant 16 : i32
      %parallel_loop3A_121 = arith.muli %parallel_loop3A_53, %parallel_loop3A_120 : i32
      %parallel_loop3A_122 = arith.constant 11 : i32
      %parallel_loop3A_123 = arith.index_cast %parallel_loop3A_122 : i32 to index
      %parallel_loop3A_124 = arith.index_cast %parallel_loop3A_121 : i32 to index
      %parallel_loop3A_125 = tpu.vector_load %arg6[%parallel_loop3A_123, %parallel_loop3A_124] {strides = array<i32>} : memref<32x2048xf32, #tpu.memory_space<vmem>>, vector<16xf32>,
      tpu.vector_store %arg6[%parallel_loop3A_123, %parallel_loop3A_124], %broadcast_in_dim3A_16 {strides = array<i32>} : memref<32x2048xf32, #tpu.memory_space<vmem>>, vector<16xf32>,
      %parallel_loop3A_126 = arith.constant 16 : i32
      %parallel_loop3A_127 = arith.muli %parallel_loop3A_53, %parallel_loop3A_126 : i32
      %parallel_loop3A_128 = arith.constant 12 : i32
      %parallel_loop3A_129 = arith.index_cast %parallel_loop3A_128 : i32 to index
      %parallel_loop3A_130 = arith.index_cast %parallel_loop3A_127 : i32 to index
      %parallel_loop3A_131 = tpu.vector_load %arg6[%parallel_loop3A_129, %parallel_loop3A_130] {strides = array<i32>} : memref<32x2048xf32, #tpu.memory_space<vmem>>, vector<16xf32>,
      tpu.vector_store %arg6[%parallel_loop3A_129, %parallel_loop3A_130], %broadcast_in_dim3A_16 {strides = array<i32>} : memref<32x2048xf32, #tpu.memory_space<vmem>>, vector<16xf32>,
      %parallel_loop3A_132 = arith.constant 16 : i32
      %parallel_loop3A_133 = arith.muli %parallel_loop3A_53, %parallel_loop3A_132 : i32
      %parallel_loop3A_134 = arith.constant 13 : i32
      %parallel_loop3A_135 = arith.index_cast %parallel_loop3A_134 : i32 to index
      %parallel_loop3A_136 = arith.index_cast %parallel_loop3A_133 : i32 to index
      %parallel_loop3A_137 = tpu.vector_load %arg6[%parallel_loop3A_135, %parallel_loop3A_136] {strides = array<i32>} : memref<32x2048xf32, #tpu.memory_space<vmem>>, vector<16xf32>,
      tpu.vector_store %arg6[%parallel_loop3A_135, %parallel_loop3A_136], %broadcast_in_dim3A_16 {strides = array<i32>} : memref<32x2048xf32, #tpu.memory_space<vmem>>, vector<16xf32>,
      %parallel_loop3A_138 = arith.constant 16 : i32
      %parallel_loop3A_139 = arith.muli %parallel_loop3A_53, %parallel_loop3A_138 : i32
      %parallel_loop3A_140 = arith.constant 14 : i32
      %parallel_loop3A_141 = arith.index_cast %parallel_loop3A_140 : i32 to index
      %parallel_loop3A_142 = arith.index_cast %parallel_loop3A_139 : i32 to index
      %parallel_loop3A_143 = tpu.vector_load %arg6[%parallel_loop3A_141, %parallel_loop3A_142] {strides = array<i32>} : memref<32x2048xf32, #tpu.memory_space<vmem>>, vector<16xf32>,
      tpu.vector_store %arg6[%parallel_loop3A_141, %parallel_loop3A_142], %broadcast_in_dim3A_16 {strides = array<i32>} : memref<32x2048xf32, #tpu.memory_space<vmem>>, vector<16xf32>,
      %parallel_loop3A_144 = arith.constant 16 : i32
      %parallel_loop3A_145 = arith.muli %parallel_loop3A_53, %parallel_loop3A_144 : i32
      %parallel_loop3A_146 = arith.constant 15 : i32
      %parallel_loop3A_147 = arith.index_cast %parallel_loop3A_146 : i32 to index
      %parallel_loop3A_148 = arith.index_cast %parallel_loop3A_145 : i32 to index
      %parallel_loop3A_149 = tpu.vector_load %arg6[%parallel_loop3A_147, %parallel_loop3A_148] {strides = array<i32>} : memref<32x2048xf32, #tpu.memory_space<vmem>>, vector<16xf32>,
      tpu.vector_store %arg6[%parallel_loop3A_147, %parallel_loop3A_148], %broadcast_in_dim3A_16 {strides = array<i32>} : memref<32x2048xf32, #tpu.memory_space<vmem>>, vector<16xf32>,
      %parallel_loop3A_150 = arith.constant 16 : i32
      %parallel_loop3A_151 = arith.muli %parallel_loop3A_53, %parallel_loop3A_150 : i32
      %parallel_loop3A_152 = arith.constant 16 : i32
      %parallel_loop3A_153 = arith.index_cast %parallel_loop3A_152 : i32 to index
      %parallel_loop3A_154 = arith.index_cast %parallel_loop3A_151 : i32 to index
      %parallel_loop3A_155 = tpu.vector_load %arg6[%parallel_loop3A_153, %parallel_loop3A_154] {strides = array<i32>} : memref<32x2048xf32, #tpu.memory_space<vmem>>, vector<16xf32>,
      tpu.vector_store %arg6[%parallel_loop3A_153, %parallel_loop3A_154], %broadcast_in_dim3A_16 {strides = array<i32>} : memref<32x2048xf32, #tpu.memory_space<vmem>>, vector<16xf32>,
      %parallel_loop3A_156 = arith.constant 16 : i32
      %parallel_loop3A_157 = arith.muli %parallel_loop3A_53, %parallel_loop3A_156 : i32
      %parallel_loop3A_158 = arith.constant 17 : i32
      %parallel_loop3A_159 = arith.index_cast %parallel_loop3A_158 : i32 to index
      %parallel_loop3A_160 = arith.index_cast %parallel_loop3A_157 : i32 to index
      %parallel_loop3A_161 = tpu.vector_load %arg6[%parallel_loop3A_159, %parallel_loop3A_160] {strides = array<i32>} : memref<32x2048xf32, #tpu.memory_space<vmem>>, vector<16xf32>,
      tpu.vector_store %arg6[%parallel_loop3A_159, %parallel_loop3A_160], %broadcast_in_dim3A_16 {strides = array<i32>} : memref<32x2048xf32, #tpu.memory_space<vmem>>, vector<16xf32>,
      %parallel_loop3A_162 = arith.constant 16 : i32
      %parallel_loop3A_163 = arith.muli %parallel_loop3A_53, %parallel_loop3A_162 : i32
      %parallel_loop3A_164 = arith.constant 18 : i32
      %parallel_loop3A_165 = arith.index_cast %parallel_loop3A_164 : i32 to index
      %parallel_loop3A_166 = arith.index_cast %parallel_loop3A_163 : i32 to index
      %parallel_loop3A_167 = tpu.vector_load %arg6[%parallel_loop3A_165, %parallel_loop3A_166] {strides = array<i32>} : memref<32x2048xf32, #tpu.memory_space<vmem>>, vector<16xf32>,
      tpu.vector_store %arg6[%parallel_loop3A_165, %parallel_loop3A_166], %broadcast_in_dim3A_16 {strides = array<i32>} : memref<32x2048xf32, #tpu.memory_space<vmem>>, vector<16xf32>,
      %parallel_loop3A_168 = arith.constant 16 : i32
      %parallel_loop3A_169 = arith.muli %parallel_loop3A_53, %parallel_loop3A_168 : i32
      %parallel_loop3A_170 = arith.constant 19 : i32
      %parallel_loop3A_171 = arith.index_cast %parallel_loop3A_170 : i32 to index
      %parallel_loop3A_172 = arith.index_cast %parallel_loop3A_169 : i32 to index
      %parallel_loop3A_173 = tpu.vector_load %arg6[%parallel_loop3A_171, %parallel_loop3A_172] {strides = array<i32>} : memref<32x2048xf32, #tpu.memory_space<vmem>>, vector<16xf32>,
      tpu.vector_store %arg6[%parallel_loop3A_171, %parallel_loop3A_172], %broadcast_in_dim3A_16 {strides = array<i32>} : memref<32x2048xf32, #tpu.memory_space<vmem>>, vector<16xf32>,
      %parallel_loop3A_174 = arith.constant 16 : i32
      %parallel_loop3A_175 = arith.muli %parallel_loop3A_53, %parallel_loop3A_174 : i32
      %parallel_loop3A_176 = arith.constant 20 : i32
      %parallel_loop3A_177 = arith.index_cast %parallel_loop3A_176 : i32 to index
      %parallel_loop3A_178 = arith.index_cast %parallel_loop3A_175 : i32 to index
      %parallel_loop3A_179 = tpu.vector_load %arg6[%parallel_loop3A_177, %parallel_loop3A_178] {strides = array<i32>} : memref<32x2048xf32, #tpu.memory_space<vmem>>, vector<16xf32>,
      tpu.vector_store %arg6[%parallel_loop3A_177, %parallel_loop3A_178], %broadcast_in_dim3A_16 {strides = array<i32>} : memref<32x2048xf32, #tpu.memory_space<vmem>>, vector<16xf32>,
      %parallel_loop3A_180 = arith.constant 16 : i32
      %parallel_loop3A_181 = arith.muli %parallel_loop3A_53, %parallel_loop3A_180 : i32
      %parallel_loop3A_182 = arith.constant 21 : i32
      %parallel_loop3A_183 = arith.index_cast %parallel_loop3A_182 : i32 to index
      %parallel_loop3A_184 = arith.index_cast %parallel_loop3A_181 : i32 to index
      %parallel_loop3A_185 = tpu.vector_load %arg6[%parallel_loop3A_183, %parallel_loop3A_184] {strides = array<i32>} : memref<32x2048xf32, #tpu.memory_space<vmem>>, vector<16xf32>,
      tpu.vector_store %arg6[%parallel_loop3A_183, %parallel_loop3A_184], %broadcast_in_dim3A_16 {strides = array<i32>} : memref<32x2048xf32, #tpu.memory_space<vmem>>, vector<16xf32>,
      %parallel_loop3A_186 = arith.constant 16 : i32
      %parallel_loop3A_187 = arith.muli %parallel_loop3A_53, %parallel_loop3A_186 : i32
      %parallel_loop3A_188 = arith.constant 22 : i32
      %parallel_loop3A_189 = arith.index_cast %parallel_loop3A_188 : i32 to index
      %parallel_loop3A_190 = arith.index_cast %parallel_loop3A_187 : i32 to index
      %parallel_loop3A_191 = tpu.vector_load %arg6[%parallel_loop3A_189, %parallel_loop3A_190] {strides = array<i32>} : memref<32x2048xf32, #tpu.memory_space<vmem>>, vector<16xf32>,
      tpu.vector_store %arg6[%parallel_loop3A_189, %parallel_loop3A_190], %broadcast_in_dim3A_16 {strides = array<i32>} : memref<32x2048xf32, #tpu.memory_space<vmem>>, vector<16xf32>,
      %parallel_loop3A_192 = arith.constant 16 : i32
      %parallel_loop3A_193 = arith.muli %parallel_loop3A_53, %parallel_loop3A_192 : i32
      %parallel_loop3A_194 = arith.constant 23 : i32
      %parallel_loop3A_195 = arith.index_cast %parallel_loop3A_194 : i32 to index
      %parallel_loop3A_196 = arith.index_cast %parallel_loop3A_193 : i32 to index
      %parallel_loop3A_197 = tpu.vector_load %arg6[%parallel_loop3A_195, %parallel_loop3A_196] {strides = array<i32>} : memref<32x2048xf32, #tpu.memory_space<vmem>>, vector<16xf32>,
      tpu.vector_store %arg6[%parallel_loop3A_195, %parallel_loop3A_196], %broadcast_in_dim3A_16 {strides = array<i32>} : memref<32x2048xf32, #tpu.memory_space<vmem>>, vector<16xf32>,
      %parallel_loop3A_198 = arith.constant 16 : i32
      %parallel_loop3A_199 = arith.muli %parallel_loop3A_53, %parallel_loop3A_198 : i32
      %parallel_loop3A_200 = arith.constant 24 : i32
      %parallel_loop3A_201 = arith.index_cast %parallel_loop3A_200 : i32 to index
      %parallel_loop3A_202 = arith.index_cast %parallel_loop3A_199 : i32 to index
      %parallel_loop3A_203 = tpu.vector_load %arg6[%parallel_loop3A_201, %parallel_loop3A_202] {strides = array<i32>} : memref<32x2048xf32, #tpu.memory_space<vmem>>, vector<16xf32>,
      tpu.vector_store %arg6[%parallel_loop3A_201, %parallel_loop3A_202], %broadcast_in_dim3A_16 {strides = array<i32>} : memref<32x2048xf32, #tpu.memory_space<vmem>>, vector<16xf32>,
      %parallel_loop3A_204 = arith.constant 16 : i32
      %parallel_loop3A_205 = arith.muli %parallel_loop3A_53, %parallel_loop3A_204 : i32
      %parallel_loop3A_206 = arith.constant 25 : i32
      %parallel_loop3A_207 = arith.index_cast %parallel_loop3A_206 : i32 to index
      %parallel_loop3A_208 = arith.index_cast %parallel_loop3A_205 : i32 to index
      %parallel_loop3A_209 = tpu.vector_load %arg6[%parallel_loop3A_207, %parallel_loop3A_208] {strides = array<i32>} : memref<32x2048xf32, #tpu.memory_space<vmem>>, vector<16xf32>,
      tpu.vector_store %arg6[%parallel_loop3A_207, %parallel_loop3A_208], %broadcast_in_dim3A_16 {strides = array<i32>} : memref<32x2048xf32, #tpu.memory_space<vmem>>, vector<16xf32>,
      %parallel_loop3A_210 = arith.constant 16 : i32
      %parallel_loop3A_211 = arith.muli %parallel_loop3A_53, %parallel_loop3A_210 : i32
      %parallel_loop3A_212 = arith.constant 26 : i32
      %parallel_loop3A_213 = arith.index_cast %parallel_loop3A_212 : i32 to index
      %parallel_loop3A_214 = arith.index_cast %parallel_loop3A_211 : i32 to index
      %parallel_loop3A_215 = tpu.vector_load %arg6[%parallel_loop3A_213, %parallel_loop3A_214] {strides = array<i32>} : memref<32x2048xf32, #tpu.memory_space<vmem>>, vector<16xf32>,
      tpu.vector_store %arg6[%parallel_loop3A_213, %parallel_loop3A_214], %broadcast_in_dim3A_16 {strides = array<i32>} : memref<32x2048xf32, #tpu.memory_space<vmem>>, vector<16xf32>,
      %parallel_loop3A_216 = arith.constant 16 : i32
      %parallel_loop3A_217 = arith.muli %parallel_loop3A_53, %parallel_loop3A_216 : i32
      %parallel_loop3A_218 = arith.constant 27 : i32
      %parallel_loop3A_219 = arith.index_cast %parallel_loop3A_218 : i32 to index
      %parallel_loop3A_220 = arith.index_cast %parallel_loop3A_217 : i32 to index
      %parallel_loop3A_221 = tpu.vector_load %arg6[%parallel_loop3A_219, %parallel_loop3A_220] {strides = array<i32>} : memref<32x2048xf32, #tpu.memory_space<vmem>>, vector<16xf32>,
      tpu.vector_store %arg6[%parallel_loop3A_219, %parallel_loop3A_220], %broadcast_in_dim3A_16 {strides = array<i32>} : memref<32x2048xf32, #tpu.memory_space<vmem>>, vector<16xf32>,
      %parallel_loop3A_222 = arith.constant 16 : i32
      %parallel_loop3A_223 = arith.muli %parallel_loop3A_53, %parallel_loop3A_222 : i32
      %parallel_loop3A_224 = arith.constant 28 : i32
      %parallel_loop3A_225 = arith.index_cast %parallel_loop3A_224 : i32 to index
      %parallel_loop3A_226 = arith.index_cast %parallel_loop3A_223 : i32 to index
      %parallel_loop3A_227 = tpu.vector_load %arg6[%parallel_loop3A_225, %parallel_loop3A_226] {strides = array<i32>} : memref<32x2048xf32, #tpu.memory_space<vmem>>, vector<16xf32>,
      tpu.vector_store %arg6[%parallel_loop3A_225, %parallel_loop3A_226], %broadcast_in_dim3A_16 {strides = array<i32>} : memref<32x2048xf32, #tpu.memory_space<vmem>>, vector<16xf32>,
      %parallel_loop3A_228 = arith.constant 16 : i32
      %parallel_loop3A_229 = arith.muli %parallel_loop3A_53, %parallel_loop3A_228 : i32
      %parallel_loop3A_230 = arith.constant 29 : i32
      %parallel_loop3A_231 = arith.index_cast %parallel_loop3A_230 : i32 to index
      %parallel_loop3A_232 = arith.index_cast %parallel_loop3A_229 : i32 to index
      %parallel_loop3A_233 = tpu.vector_load %arg6[%parallel_loop3A_231, %parallel_loop3A_232] {strides = array<i32>} : memref<32x2048xf32, #tpu.memory_space<vmem>>, vector<16xf32>,
      tpu.vector_store %arg6[%parallel_loop3A_231, %parallel_loop3A_232], %broadcast_in_dim3A_16 {strides = array<i32>} : memref<32x2048xf32, #tpu.memory_space<vmem>>, vector<16xf32>,
      %parallel_loop3A_234 = arith.constant 16 : i32
      %parallel_loop3A_235 = arith.muli %parallel_loop3A_53, %parallel_loop3A_234 : i32
      %parallel_loop3A_236 = arith.constant 30 : i32
      %parallel_loop3A_237 = arith.index_cast %parallel_loop3A_236 : i32 to index
      %parallel_loop3A_238 = arith.index_cast %parallel_loop3A_235 : i32 to index
      %parallel_loop3A_239 = tpu.vector_load %arg6[%parallel_loop3A_237, %parallel_loop3A_238] {strides = array<i32>} : memref<32x2048xf32, #tpu.memory_space<vmem>>, vector<16xf32>,
      tpu.vector_store %arg6[%parallel_loop3A_237, %parallel_loop3A_238], %broadcast_in_dim3A_16 {strides = array<i32>} : memref<32x2048xf32, #tpu.memory_space<vmem>>, vector<16xf32>,
      %parallel_loop3A_240 = arith.constant 16 : i32
      %parallel_loop3A_241 = arith.muli %parallel_loop3A_53, %parallel_loop3A_240 : i32
      %parallel_loop3A_242 = arith.constant 31 : i32
      %parallel_loop3A_243 = arith.index_cast %parallel_loop3A_242 : i32 to index
      %parallel_loop3A_244 = arith.index_cast %parallel_loop3A_241 : i32 to index
      %parallel_loop3A_245 = tpu.vector_load %arg6[%parallel_loop3A_243, %parallel_loop3A_244] {strides = array<i32>} : memref<32x2048xf32, #tpu.memory_space<vmem>>, vector<16xf32>,
      tpu.vector_store %arg6[%parallel_loop3A_243, %parallel_loop3A_244], %broadcast_in_dim3A_16 {strides = array<i32>} : memref<32x2048xf32, #tpu.memory_space<vmem>>, vector<16xf32>,
    } {sc.loop_unroll_factor = 8 : i64, sc.parallel_access}
    %dma_wait3A = arith.constant 1 : i32
    %dma_wait3A_19 = arith.constant 0 : i32
    %dma_wait3A_20 = tpu.memref_slice %arg2[%dma_wait3A, %dma_wait3A_19] : memref<2x16384xi32, #tpu.memory_space<hbm>> -> memref<1x16384xi32, #tpu.memory_space<hbm>>
    %dma_wait3A_21 = tpu.memref_squeeze %dma_wait3A_20 : memref<1x16384xi32, #tpu.memory_space<hbm>> -> memref<16384xi32, #tpu.memory_space<hbm>>
    %dma_wait3A_22 = arith.constant 0 : i32
    %dma_wait3A_23 = tpu.memref_slice %arg2[%dma_wait3A, %dma_wait3A_22] : memref<2x16384xi32, #tpu.memory_space<hbm>> -> memref<1x16384xi32, #tpu.memory_space<hbm>>
    %dma_wait3A_24 = tpu.memref_squeeze %dma_wait3A_23 : memref<1x16384xi32, #tpu.memory_space<hbm>> -> memref<16384xi32, #tpu.memory_space<hbm>>
    tpu.wait_dma2 semaphore(%arg7 : memref<!tpu.dma_semaphore, #tpu.memory_space<semaphore_mem>>) src(%dma_wait3A_24 : memref<16384xi32, #tpu.memory_space<hbm>>) dst(%arg4 : memref<16384xi32, #tpu.memory_space<vmem>>)
    %dma_wait3A_25 = arith.constant 0 : i32
    %dma_wait3A_26 = arith.constant 0 : i32
    %dma_wait3A_27 = tpu.memref_slice %arg2[%dma_wait3A_25, %dma_wait3A_26] : memref<2x16384xi32, #tpu.memory_space<hbm>> -> memref<1x16384xi32, #tpu.memory_space<hbm>>
    %dma_wait3A_28 = tpu.memref_squeeze %dma_wait3A_27 : memref<1x16384xi32, #tpu.memory_space<hbm>> -> memref<16384xi32, #tpu.memory_space<hbm>>
    %dma_wait3A_29 = arith.constant 0 : i32
    %dma_wait3A_30 = tpu.memref_slice %arg2[%dma_wait3A_25, %dma_wait3A_29] : memref<2x16384xi32, #tpu.memory_space<hbm>> -> memref<1x16384xi32, #tpu.memory_space<hbm>>
    %dma_wait3A_31 = tpu.memref_squeeze %dma_wait3A_30 : memref<1x16384xi32, #tpu.memory_space<hbm>> -> memref<16384xi32, #tpu.memory_space<hbm>>
    tpu.wait_dma2 semaphore(%arg7 : memref<!tpu.dma_semaphore, #tpu.memory_space<semaphore_mem>>) src(%dma_wait3A_31 : memref<16384xi32, #tpu.memory_space<hbm>>) dst(%arg5 : memref<16384xi32, #tpu.memory_space<vmem>>)
    %mul3A_32 = arith.constant 2 : i32
    %mul3A_33 = arith.muli %add3A, %mul3A_32 : i32
    %add3A_34 = arith.constant 0 : i32
    %add3A_35 = arith.addi %mul3A_33, %add3A_34 : i32
    %mul3A_36 = arith.constant 32 : i32
    %mul3A_37 = arith.muli %add3A_35, %mul3A_36 : i32
    %parallel_loop3A_38 = arith.constant 0 : i32
    %parallel_loop3A_39 = arith.constant 1024 : i32
    %parallel_loop3A_40 = arith.constant 1 : i32
    scf.for %parallel_loop3A_53 = %parallel_loop3A_38 to %parallel_loop3A_39 step %parallel_loop3A_40  : i32 {
      %parallel_loop3A_54 = arith.constant 16 : i32
      %parallel_loop3A_55 = arith.muli %parallel_loop3A_53, %parallel_loop3A_54 : i32
      %parallel_loop3A_56 = arith.index_cast %parallel_loop3A_55 : i32 to index
      %parallel_loop3A_57 = tpu.vector_load %arg4[%parallel_loop3A_56] {strides = array<i32>} : memref<16384xi32, #tpu.memory_space<vmem>>, vector<16xi32>,
      %parallel_loop3A_58 = arith.constant 16 : i32
      %parallel_loop3A_59 = arith.muli %parallel_loop3A_53, %parallel_loop3A_58 : i32
      %parallel_loop3A_60 = arith.index_cast %parallel_loop3A_59 : i32 to index
      %parallel_loop3A_61 = tpu.vector_load %arg5[%parallel_loop3A_60] {strides = array<i32>} : memref<16384xi32, #tpu.memory_space<vmem>>, vector<16xi32>,
      %parallel_loop3A_62 = vector.broadcast %mul3A_37 : i32 to vector<16xi32>
      %parallel_loop3A_63 = arith.subi %parallel_loop3A_57, %parallel_loop3A_62 : vector<16xi32>
      %parallel_loop3A_64 = arith.constant 32 : i32
      %parallel_loop3A_65 = vector.broadcast %parallel_loop3A_64 : i32 to vector<16xi32>
      %parallel_loop3A_66 = arith.cmpi ult, %parallel_loop3A_63, %parallel_loop3A_65 : vector<16xi32>
      %parallel_loop3A_67 = arith.constant 31 : i32
      %parallel_loop3A_68 = vector.broadcast %parallel_loop3A_67 : i32 to vector<16xi32>
      %parallel_loop3A_69 = arith.minui %parallel_loop3A_63, %parallel_loop3A_68 : vector<16xi32>
      tpu.vector_store_idx %arg6[%parallel_loop3A_69, %parallel_loop3A_61], %broadcast_in_dim3A_14 masked %parallel_loop3A_66 {add = true} : memref<32x2048xf32, #tpu.memory_space<vmem>>[vector<16xi32>, vector<16xi32>], vector<16xf32>, vector<16xi1>
    } {sc.loop_unroll_factor = 8 : i64, sc.parallel_access}
    "tpu.region"() ({
      %run_scoped3A = tpu.sem_alloc : memref<!tpu.dma_semaphore, #tpu.memory_space<semaphore_mem>>
      %dma_start3A_53 = arith.constant 0 : i32
      %dma_start3A_54 = tpu.memref_slice %arg3[%mul3A_37, %dma_start3A_53] : memref<2048x2048xf32, #tpu.memory_space<hbm>> -> memref<32x2048xf32, #tpu.memory_space<hbm>>
      %dma_start3A_55 = arith.constant 0 : i32
      %dma_start3A_56 = tpu.memref_slice %arg3[%mul3A_37, %dma_start3A_55] : memref<2048x2048xf32, #tpu.memory_space<hbm>> -> memref<32x2048xf32, #tpu.memory_space<hbm>>
      tpu.enqueue_dma source(%arg6 : memref<32x2048xf32, #tpu.memory_space<vmem>>) target(%dma_start3A_56 : memref<32x2048xf32, #tpu.memory_space<hbm>>) target_semaphore(%run_scoped3A : memref<!tpu.dma_semaphore, #tpu.memory_space<semaphore_mem>>)
      %dma_wait3A_57 = arith.constant 0 : i32
      %dma_wait3A_58 = tpu.memref_slice %arg3[%mul3A_37, %dma_wait3A_57] : memref<2048x2048xf32, #tpu.memory_space<hbm>> -> memref<32x2048xf32, #tpu.memory_space<hbm>>
      %dma_wait3A_59 = arith.constant 0 : i32
      %dma_wait3A_60 = tpu.memref_slice %arg3[%mul3A_37, %dma_wait3A_59] : memref<2048x2048xf32, #tpu.memory_space<hbm>> -> memref<32x2048xf32, #tpu.memory_space<hbm>>
      tpu.wait_dma2 semaphore(%run_scoped3A : memref<!tpu.dma_semaphore, #tpu.memory_space<semaphore_mem>>) src(%arg6 : memref<32x2048xf32, #tpu.memory_space<vmem>>) dst(%dma_wait3A_60 : memref<32x2048xf32, #tpu.memory_space<hbm>>)
      tpu.yield
    }) : () -> ()
    %mul3A_41 = arith.constant 2 : i32
    %mul3A_42 = arith.muli %add3A, %mul3A_41 : i32
    %add3A_43 = arith.constant 1 : i32
    %add3A_44 = arith.addi %mul3A_42, %add3A_43 : i32
    %mul3A_45 = arith.constant 32 : i32
    %mul3A_46 = arith.muli %add3A_44, %mul3A_45 : i32
    %parallel_loop3A_47 = arith.constant 0 : i32
    %parallel_loop3A_48 = arith.constant 128 : i32
    %parallel_loop3A_49 = arith.constant 1 : i32
    scf.for %parallel_loop3A_53 = %parallel_loop3A_47 to %parallel_loop3A_48 step %parallel_loop3A_49  : i32 {
      %parallel_loop3A_54 = arith.constant 16 : i32
      %parallel_loop3A_55 = arith.muli %parallel_loop3A_53, %parallel_loop3A_54 : i32
      %parallel_loop3A_56 = arith.constant 0 : i32
      %parallel_loop3A_57 = arith.index_cast %parallel_loop3A_56 : i32 to index
      %parallel_loop3A_58 = arith.index_cast %parallel_loop3A_55 : i32 to index
      %parallel_loop3A_59 = tpu.vector_load %arg6[%parallel_loop3A_57, %parallel_loop3A_58] {strides = array<i32>} : memref<32x2048xf32, #tpu.memory_space<vmem>>, vector<16xf32>,
      tpu.vector_store %arg6[%parallel_loop3A_57, %parallel_loop3A_58], %broadcast_in_dim3A_16 {strides = array<i32>} : memref<32x2048xf32, #tpu.memory_space<vmem>>, vector<16xf32>,
      %parallel_loop3A_60 = arith.constant 16 : i32
      %parallel_loop3A_61 = arith.muli %parallel_loop3A_53, %parallel_loop3A_60 : i32
      %parallel_loop3A_62 = arith.constant 1 : i32
      %parallel_loop3A_63 = arith.index_cast %parallel_loop3A_62 : i32 to index
      %parallel_loop3A_64 = arith.index_cast %parallel_loop3A_61 : i32 to index
      %parallel_loop3A_65 = tpu.vector_load %arg6[%parallel_loop3A_63, %parallel_loop3A_64] {strides = array<i32>} : memref<32x2048xf32, #tpu.memory_space<vmem>>, vector<16xf32>,
      tpu.vector_store %arg6[%parallel_loop3A_63, %parallel_loop3A_64], %broadcast_in_dim3A_16 {strides = array<i32>} : memref<32x2048xf32, #tpu.memory_space<vmem>>, vector<16xf32>,
      %parallel_loop3A_66 = arith.constant 16 : i32
      %parallel_loop3A_67 = arith.muli %parallel_loop3A_53, %parallel_loop3A_66 : i32
      %parallel_loop3A_68 = arith.constant 2 : i32
      %parallel_loop3A_69 = arith.index_cast %parallel_loop3A_68 : i32 to index
      %parallel_loop3A_70 = arith.index_cast %parallel_loop3A_67 : i32 to index
      %parallel_loop3A_71 = tpu.vector_load %arg6[%parallel_loop3A_69, %parallel_loop3A_70] {strides = array<i32>} : memref<32x2048xf32, #tpu.memory_space<vmem>>, vector<16xf32>,
      tpu.vector_store %arg6[%parallel_loop3A_69, %parallel_loop3A_70], %broadcast_in_dim3A_16 {strides = array<i32>} : memref<32x2048xf32, #tpu.memory_space<vmem>>, vector<16xf32>,
      %parallel_loop3A_72 = arith.constant 16 : i32
      %parallel_loop3A_73 = arith.muli %parallel_loop3A_53, %parallel_loop3A_72 : i32
      %parallel_loop3A_74 = arith.constant 3 : i32
      %parallel_loop3A_75 = arith.index_cast %parallel_loop3A_74 : i32 to index
      %parallel_loop3A_76 = arith.index_cast %parallel_loop3A_73 : i32 to index
      %parallel_loop3A_77 = tpu.vector_load %arg6[%parallel_loop3A_75, %parallel_loop3A_76] {strides = array<i32>} : memref<32x2048xf32, #tpu.memory_space<vmem>>, vector<16xf32>,
      tpu.vector_store %arg6[%parallel_loop3A_75, %parallel_loop3A_76], %broadcast_in_dim3A_16 {strides = array<i32>} : memref<32x2048xf32, #tpu.memory_space<vmem>>, vector<16xf32>,
      %parallel_loop3A_78 = arith.constant 16 : i32
      %parallel_loop3A_79 = arith.muli %parallel_loop3A_53, %parallel_loop3A_78 : i32
      %parallel_loop3A_80 = arith.constant 4 : i32
      %parallel_loop3A_81 = arith.index_cast %parallel_loop3A_80 : i32 to index
      %parallel_loop3A_82 = arith.index_cast %parallel_loop3A_79 : i32 to index
      %parallel_loop3A_83 = tpu.vector_load %arg6[%parallel_loop3A_81, %parallel_loop3A_82] {strides = array<i32>} : memref<32x2048xf32, #tpu.memory_space<vmem>>, vector<16xf32>,
      tpu.vector_store %arg6[%parallel_loop3A_81, %parallel_loop3A_82], %broadcast_in_dim3A_16 {strides = array<i32>} : memref<32x2048xf32, #tpu.memory_space<vmem>>, vector<16xf32>,
      %parallel_loop3A_84 = arith.constant 16 : i32
      %parallel_loop3A_85 = arith.muli %parallel_loop3A_53, %parallel_loop3A_84 : i32
      %parallel_loop3A_86 = arith.constant 5 : i32
      %parallel_loop3A_87 = arith.index_cast %parallel_loop3A_86 : i32 to index
      %parallel_loop3A_88 = arith.index_cast %parallel_loop3A_85 : i32 to index
      %parallel_loop3A_89 = tpu.vector_load %arg6[%parallel_loop3A_87, %parallel_loop3A_88] {strides = array<i32>} : memref<32x2048xf32, #tpu.memory_space<vmem>>, vector<16xf32>,
      tpu.vector_store %arg6[%parallel_loop3A_87, %parallel_loop3A_88], %broadcast_in_dim3A_16 {strides = array<i32>} : memref<32x2048xf32, #tpu.memory_space<vmem>>, vector<16xf32>,
      %parallel_loop3A_90 = arith.constant 16 : i32
      %parallel_loop3A_91 = arith.muli %parallel_loop3A_53, %parallel_loop3A_90 : i32
      %parallel_loop3A_92 = arith.constant 6 : i32
      %parallel_loop3A_93 = arith.index_cast %parallel_loop3A_92 : i32 to index
      %parallel_loop3A_94 = arith.index_cast %parallel_loop3A_91 : i32 to index
      %parallel_loop3A_95 = tpu.vector_load %arg6[%parallel_loop3A_93, %parallel_loop3A_94] {strides = array<i32>} : memref<32x2048xf32, #tpu.memory_space<vmem>>, vector<16xf32>,
      tpu.vector_store %arg6[%parallel_loop3A_93, %parallel_loop3A_94], %broadcast_in_dim3A_16 {strides = array<i32>} : memref<32x2048xf32, #tpu.memory_space<vmem>>, vector<16xf32>,
      %parallel_loop3A_96 = arith.constant 16 : i32
      %parallel_loop3A_97 = arith.muli %parallel_loop3A_53, %parallel_loop3A_96 : i32
      %parallel_loop3A_98 = arith.constant 7 : i32
      %parallel_loop3A_99 = arith.index_cast %parallel_loop3A_98 : i32 to index
      %parallel_loop3A_100 = arith.index_cast %parallel_loop3A_97 : i32 to index
      %parallel_loop3A_101 = tpu.vector_load %arg6[%parallel_loop3A_99, %parallel_loop3A_100] {strides = array<i32>} : memref<32x2048xf32, #tpu.memory_space<vmem>>, vector<16xf32>,
      tpu.vector_store %arg6[%parallel_loop3A_99, %parallel_loop3A_100], %broadcast_in_dim3A_16 {strides = array<i32>} : memref<32x2048xf32, #tpu.memory_space<vmem>>, vector<16xf32>,
      %parallel_loop3A_102 = arith.constant 16 : i32
      %parallel_loop3A_103 = arith.muli %parallel_loop3A_53, %parallel_loop3A_102 : i32
      %parallel_loop3A_104 = arith.constant 8 : i32
      %parallel_loop3A_105 = arith.index_cast %parallel_loop3A_104 : i32 to index
      %parallel_loop3A_106 = arith.index_cast %parallel_loop3A_103 : i32 to index
      %parallel_loop3A_107 = tpu.vector_load %arg6[%parallel_loop3A_105, %parallel_loop3A_106] {strides = array<i32>} : memref<32x2048xf32, #tpu.memory_space<vmem>>, vector<16xf32>,
      tpu.vector_store %arg6[%parallel_loop3A_105, %parallel_loop3A_106], %broadcast_in_dim3A_16 {strides = array<i32>} : memref<32x2048xf32, #tpu.memory_space<vmem>>, vector<16xf32>,
      %parallel_loop3A_108 = arith.constant 16 : i32
      %parallel_loop3A_109 = arith.muli %parallel_loop3A_53, %parallel_loop3A_108 : i32
      %parallel_loop3A_110 = arith.constant 9 : i32
      %parallel_loop3A_111 = arith.index_cast %parallel_loop3A_110 : i32 to index
      %parallel_loop3A_112 = arith.index_cast %parallel_loop3A_109 : i32 to index
      %parallel_loop3A_113 = tpu.vector_load %arg6[%parallel_loop3A_111, %parallel_loop3A_112] {strides = array<i32>} : memref<32x2048xf32, #tpu.memory_space<vmem>>, vector<16xf32>,
      tpu.vector_store %arg6[%parallel_loop3A_111, %parallel_loop3A_112], %broadcast_in_dim3A_16 {strides = array<i32>} : memref<32x2048xf32, #tpu.memory_space<vmem>>, vector<16xf32>,
      %parallel_loop3A_114 = arith.constant 16 : i32
      %parallel_loop3A_115 = arith.muli %parallel_loop3A_53, %parallel_loop3A_114 : i32
      %parallel_loop3A_116 = arith.constant 10 : i32
      %parallel_loop3A_117 = arith.index_cast %parallel_loop3A_116 : i32 to index
      %parallel_loop3A_118 = arith.index_cast %parallel_loop3A_115 : i32 to index
      %parallel_loop3A_119 = tpu.vector_load %arg6[%parallel_loop3A_117, %parallel_loop3A_118] {strides = array<i32>} : memref<32x2048xf32, #tpu.memory_space<vmem>>, vector<16xf32>,
      tpu.vector_store %arg6[%parallel_loop3A_117, %parallel_loop3A_118], %broadcast_in_dim3A_16 {strides = array<i32>} : memref<32x2048xf32, #tpu.memory_space<vmem>>, vector<16xf32>,
      %parallel_loop3A_120 = arith.constant 16 : i32
      %parallel_loop3A_121 = arith.muli %parallel_loop3A_53, %parallel_loop3A_120 : i32
      %parallel_loop3A_122 = arith.constant 11 : i32
      %parallel_loop3A_123 = arith.index_cast %parallel_loop3A_122 : i32 to index
      %parallel_loop3A_124 = arith.index_cast %parallel_loop3A_121 : i32 to index
      %parallel_loop3A_125 = tpu.vector_load %arg6[%parallel_loop3A_123, %parallel_loop3A_124] {strides = array<i32>} : memref<32x2048xf32, #tpu.memory_space<vmem>>, vector<16xf32>,
      tpu.vector_store %arg6[%parallel_loop3A_123, %parallel_loop3A_124], %broadcast_in_dim3A_16 {strides = array<i32>} : memref<32x2048xf32, #tpu.memory_space<vmem>>, vector<16xf32>,
      %parallel_loop3A_126 = arith.constant 16 : i32
      %parallel_loop3A_127 = arith.muli %parallel_loop3A_53, %parallel_loop3A_126 : i32
      %parallel_loop3A_128 = arith.constant 12 : i32
      %parallel_loop3A_129 = arith.index_cast %parallel_loop3A_128 : i32 to index
      %parallel_loop3A_130 = arith.index_cast %parallel_loop3A_127 : i32 to index
      %parallel_loop3A_131 = tpu.vector_load %arg6[%parallel_loop3A_129, %parallel_loop3A_130] {strides = array<i32>} : memref<32x2048xf32, #tpu.memory_space<vmem>>, vector<16xf32>,
      tpu.vector_store %arg6[%parallel_loop3A_129, %parallel_loop3A_130], %broadcast_in_dim3A_16 {strides = array<i32>} : memref<32x2048xf32, #tpu.memory_space<vmem>>, vector<16xf32>,
      %parallel_loop3A_132 = arith.constant 16 : i32
      %parallel_loop3A_133 = arith.muli %parallel_loop3A_53, %parallel_loop3A_132 : i32
      %parallel_loop3A_134 = arith.constant 13 : i32
      %parallel_loop3A_135 = arith.index_cast %parallel_loop3A_134 : i32 to index
      %parallel_loop3A_136 = arith.index_cast %parallel_loop3A_133 : i32 to index
      %parallel_loop3A_137 = tpu.vector_load %arg6[%parallel_loop3A_135, %parallel_loop3A_136] {strides = array<i32>} : memref<32x2048xf32, #tpu.memory_space<vmem>>, vector<16xf32>,
      tpu.vector_store %arg6[%parallel_loop3A_135, %parallel_loop3A_136], %broadcast_in_dim3A_16 {strides = array<i32>} : memref<32x2048xf32, #tpu.memory_space<vmem>>, vector<16xf32>,
      %parallel_loop3A_138 = arith.constant 16 : i32
      %parallel_loop3A_139 = arith.muli %parallel_loop3A_53, %parallel_loop3A_138 : i32
      %parallel_loop3A_140 = arith.constant 14 : i32
      %parallel_loop3A_141 = arith.index_cast %parallel_loop3A_140 : i32 to index
      %parallel_loop3A_142 = arith.index_cast %parallel_loop3A_139 : i32 to index
      %parallel_loop3A_143 = tpu.vector_load %arg6[%parallel_loop3A_141, %parallel_loop3A_142] {strides = array<i32>} : memref<32x2048xf32, #tpu.memory_space<vmem>>, vector<16xf32>,
      tpu.vector_store %arg6[%parallel_loop3A_141, %parallel_loop3A_142], %broadcast_in_dim3A_16 {strides = array<i32>} : memref<32x2048xf32, #tpu.memory_space<vmem>>, vector<16xf32>,
      %parallel_loop3A_144 = arith.constant 16 : i32
      %parallel_loop3A_145 = arith.muli %parallel_loop3A_53, %parallel_loop3A_144 : i32
      %parallel_loop3A_146 = arith.constant 15 : i32
      %parallel_loop3A_147 = arith.index_cast %parallel_loop3A_146 : i32 to index
      %parallel_loop3A_148 = arith.index_cast %parallel_loop3A_145 : i32 to index
      %parallel_loop3A_149 = tpu.vector_load %arg6[%parallel_loop3A_147, %parallel_loop3A_148] {strides = array<i32>} : memref<32x2048xf32, #tpu.memory_space<vmem>>, vector<16xf32>,
      tpu.vector_store %arg6[%parallel_loop3A_147, %parallel_loop3A_148], %broadcast_in_dim3A_16 {strides = array<i32>} : memref<32x2048xf32, #tpu.memory_space<vmem>>, vector<16xf32>,
      %parallel_loop3A_150 = arith.constant 16 : i32
      %parallel_loop3A_151 = arith.muli %parallel_loop3A_53, %parallel_loop3A_150 : i32
      %parallel_loop3A_152 = arith.constant 16 : i32
      %parallel_loop3A_153 = arith.index_cast %parallel_loop3A_152 : i32 to index
      %parallel_loop3A_154 = arith.index_cast %parallel_loop3A_151 : i32 to index
      %parallel_loop3A_155 = tpu.vector_load %arg6[%parallel_loop3A_153, %parallel_loop3A_154] {strides = array<i32>} : memref<32x2048xf32, #tpu.memory_space<vmem>>, vector<16xf32>,
      tpu.vector_store %arg6[%parallel_loop3A_153, %parallel_loop3A_154], %broadcast_in_dim3A_16 {strides = array<i32>} : memref<32x2048xf32, #tpu.memory_space<vmem>>, vector<16xf32>,
      %parallel_loop3A_156 = arith.constant 16 : i32
      %parallel_loop3A_157 = arith.muli %parallel_loop3A_53, %parallel_loop3A_156 : i32
      %parallel_loop3A_158 = arith.constant 17 : i32
      %parallel_loop3A_159 = arith.index_cast %parallel_loop3A_158 : i32 to index
      %parallel_loop3A_160 = arith.index_cast %parallel_loop3A_157 : i32 to index
      %parallel_loop3A_161 = tpu.vector_load %arg6[%parallel_loop3A_159, %parallel_loop3A_160] {strides = array<i32>} : memref<32x2048xf32, #tpu.memory_space<vmem>>, vector<16xf32>,
      tpu.vector_store %arg6[%parallel_loop3A_159, %parallel_loop3A_160], %broadcast_in_dim3A_16 {strides = array<i32>} : memref<32x2048xf32, #tpu.memory_space<vmem>>, vector<16xf32>,
      %parallel_loop3A_162 = arith.constant 16 : i32
      %parallel_loop3A_163 = arith.muli %parallel_loop3A_53, %parallel_loop3A_162 : i32
      %parallel_loop3A_164 = arith.constant 18 : i32
      %parallel_loop3A_165 = arith.index_cast %parallel_loop3A_164 : i32 to index
      %parallel_loop3A_166 = arith.index_cast %parallel_loop3A_163 : i32 to index
      %parallel_loop3A_167 = tpu.vector_load %arg6[%parallel_loop3A_165, %parallel_loop3A_166] {strides = array<i32>} : memref<32x2048xf32, #tpu.memory_space<vmem>>, vector<16xf32>,
      tpu.vector_store %arg6[%parallel_loop3A_165, %parallel_loop3A_166], %broadcast_in_dim3A_16 {strides = array<i32>} : memref<32x2048xf32, #tpu.memory_space<vmem>>, vector<16xf32>,
      %parallel_loop3A_168 = arith.constant 16 : i32
      %parallel_loop3A_169 = arith.muli %parallel_loop3A_53, %parallel_loop3A_168 : i32
      %parallel_loop3A_170 = arith.constant 19 : i32
      %parallel_loop3A_171 = arith.index_cast %parallel_loop3A_170 : i32 to index
      %parallel_loop3A_172 = arith.index_cast %parallel_loop3A_169 : i32 to index
      %parallel_loop3A_173 = tpu.vector_load %arg6[%parallel_loop3A_171, %parallel_loop3A_172] {strides = array<i32>} : memref<32x2048xf32, #tpu.memory_space<vmem>>, vector<16xf32>,
      tpu.vector_store %arg6[%parallel_loop3A_171, %parallel_loop3A_172], %broadcast_in_dim3A_16 {strides = array<i32>} : memref<32x2048xf32, #tpu.memory_space<vmem>>, vector<16xf32>,
      %parallel_loop3A_174 = arith.constant 16 : i32
      %parallel_loop3A_175 = arith.muli %parallel_loop3A_53, %parallel_loop3A_174 : i32
      %parallel_loop3A_176 = arith.constant 20 : i32
      %parallel_loop3A_177 = arith.index_cast %parallel_loop3A_176 : i32 to index
      %parallel_loop3A_178 = arith.index_cast %parallel_loop3A_175 : i32 to index
      %parallel_loop3A_179 = tpu.vector_load %arg6[%parallel_loop3A_177, %parallel_loop3A_178] {strides = array<i32>} : memref<32x2048xf32, #tpu.memory_space<vmem>>, vector<16xf32>,
      tpu.vector_store %arg6[%parallel_loop3A_177, %parallel_loop3A_178], %broadcast_in_dim3A_16 {strides = array<i32>} : memref<32x2048xf32, #tpu.memory_space<vmem>>, vector<16xf32>,
      %parallel_loop3A_180 = arith.constant 16 : i32
      %parallel_loop3A_181 = arith.muli %parallel_loop3A_53, %parallel_loop3A_180 : i32
      %parallel_loop3A_182 = arith.constant 21 : i32
      %parallel_loop3A_183 = arith.index_cast %parallel_loop3A_182 : i32 to index
      %parallel_loop3A_184 = arith.index_cast %parallel_loop3A_181 : i32 to index
      %parallel_loop3A_185 = tpu.vector_load %arg6[%parallel_loop3A_183, %parallel_loop3A_184] {strides = array<i32>} : memref<32x2048xf32, #tpu.memory_space<vmem>>, vector<16xf32>,
      tpu.vector_store %arg6[%parallel_loop3A_183, %parallel_loop3A_184], %broadcast_in_dim3A_16 {strides = array<i32>} : memref<32x2048xf32, #tpu.memory_space<vmem>>, vector<16xf32>,
      %parallel_loop3A_186 = arith.constant 16 : i32
      %parallel_loop3A_187 = arith.muli %parallel_loop3A_53, %parallel_loop3A_186 : i32
      %parallel_loop3A_188 = arith.constant 22 : i32
      %parallel_loop3A_189 = arith.index_cast %parallel_loop3A_188 : i32 to index
      %parallel_loop3A_190 = arith.index_cast %parallel_loop3A_187 : i32 to index
      %parallel_loop3A_191 = tpu.vector_load %arg6[%parallel_loop3A_189, %parallel_loop3A_190] {strides = array<i32>} : memref<32x2048xf32, #tpu.memory_space<vmem>>, vector<16xf32>,
      tpu.vector_store %arg6[%parallel_loop3A_189, %parallel_loop3A_190], %broadcast_in_dim3A_16 {strides = array<i32>} : memref<32x2048xf32, #tpu.memory_space<vmem>>, vector<16xf32>,
      %parallel_loop3A_192 = arith.constant 16 : i32
      %parallel_loop3A_193 = arith.muli %parallel_loop3A_53, %parallel_loop3A_192 : i32
      %parallel_loop3A_194 = arith.constant 23 : i32
      %parallel_loop3A_195 = arith.index_cast %parallel_loop3A_194 : i32 to index
      %parallel_loop3A_196 = arith.index_cast %parallel_loop3A_193 : i32 to index
      %parallel_loop3A_197 = tpu.vector_load %arg6[%parallel_loop3A_195, %parallel_loop3A_196] {strides = array<i32>} : memref<32x2048xf32, #tpu.memory_space<vmem>>, vector<16xf32>,
      tpu.vector_store %arg6[%parallel_loop3A_195, %parallel_loop3A_196], %broadcast_in_dim3A_16 {strides = array<i32>} : memref<32x2048xf32, #tpu.memory_space<vmem>>, vector<16xf32>,
      %parallel_loop3A_198 = arith.constant 16 : i32
      %parallel_loop3A_199 = arith.muli %parallel_loop3A_53, %parallel_loop3A_198 : i32
      %parallel_loop3A_200 = arith.constant 24 : i32
      %parallel_loop3A_201 = arith.index_cast %parallel_loop3A_200 : i32 to index
      %parallel_loop3A_202 = arith.index_cast %parallel_loop3A_199 : i32 to index
      %parallel_loop3A_203 = tpu.vector_load %arg6[%parallel_loop3A_201, %parallel_loop3A_202] {strides = array<i32>} : memref<32x2048xf32, #tpu.memory_space<vmem>>, vector<16xf32>,
      tpu.vector_store %arg6[%parallel_loop3A_201, %parallel_loop3A_202], %broadcast_in_dim3A_16 {strides = array<i32>} : memref<32x2048xf32, #tpu.memory_space<vmem>>, vector<16xf32>,
      %parallel_loop3A_204 = arith.constant 16 : i32
      %parallel_loop3A_205 = arith.muli %parallel_loop3A_53, %parallel_loop3A_204 : i32
      %parallel_loop3A_206 = arith.constant 25 : i32
      %parallel_loop3A_207 = arith.index_cast %parallel_loop3A_206 : i32 to index
      %parallel_loop3A_208 = arith.index_cast %parallel_loop3A_205 : i32 to index
      %parallel_loop3A_209 = tpu.vector_load %arg6[%parallel_loop3A_207, %parallel_loop3A_208] {strides = array<i32>} : memref<32x2048xf32, #tpu.memory_space<vmem>>, vector<16xf32>,
      tpu.vector_store %arg6[%parallel_loop3A_207, %parallel_loop3A_208], %broadcast_in_dim3A_16 {strides = array<i32>} : memref<32x2048xf32, #tpu.memory_space<vmem>>, vector<16xf32>,
      %parallel_loop3A_210 = arith.constant 16 : i32
      %parallel_loop3A_211 = arith.muli %parallel_loop3A_53, %parallel_loop3A_210 : i32
      %parallel_loop3A_212 = arith.constant 26 : i32
      %parallel_loop3A_213 = arith.index_cast %parallel_loop3A_212 : i32 to index
      %parallel_loop3A_214 = arith.index_cast %parallel_loop3A_211 : i32 to index
      %parallel_loop3A_215 = tpu.vector_load %arg6[%parallel_loop3A_213, %parallel_loop3A_214] {strides = array<i32>} : memref<32x2048xf32, #tpu.memory_space<vmem>>, vector<16xf32>,
      tpu.vector_store %arg6[%parallel_loop3A_213, %parallel_loop3A_214], %broadcast_in_dim3A_16 {strides = array<i32>} : memref<32x2048xf32, #tpu.memory_space<vmem>>, vector<16xf32>,
      %parallel_loop3A_216 = arith.constant 16 : i32
      %parallel_loop3A_217 = arith.muli %parallel_loop3A_53, %parallel_loop3A_216 : i32
      %parallel_loop3A_218 = arith.constant 27 : i32
      %parallel_loop3A_219 = arith.index_cast %parallel_loop3A_218 : i32 to index
      %parallel_loop3A_220 = arith.index_cast %parallel_loop3A_217 : i32 to index
      %parallel_loop3A_221 = tpu.vector_load %arg6[%parallel_loop3A_219, %parallel_loop3A_220] {strides = array<i32>} : memref<32x2048xf32, #tpu.memory_space<vmem>>, vector<16xf32>,
      tpu.vector_store %arg6[%parallel_loop3A_219, %parallel_loop3A_220], %broadcast_in_dim3A_16 {strides = array<i32>} : memref<32x2048xf32, #tpu.memory_space<vmem>>, vector<16xf32>,
      %parallel_loop3A_222 = arith.constant 16 : i32
      %parallel_loop3A_223 = arith.muli %parallel_loop3A_53, %parallel_loop3A_222 : i32
      %parallel_loop3A_224 = arith.constant 28 : i32
      %parallel_loop3A_225 = arith.index_cast %parallel_loop3A_224 : i32 to index
      %parallel_loop3A_226 = arith.index_cast %parallel_loop3A_223 : i32 to index
      %parallel_loop3A_227 = tpu.vector_load %arg6[%parallel_loop3A_225, %parallel_loop3A_226] {strides = array<i32>} : memref<32x2048xf32, #tpu.memory_space<vmem>>, vector<16xf32>,
      tpu.vector_store %arg6[%parallel_loop3A_225, %parallel_loop3A_226], %broadcast_in_dim3A_16 {strides = array<i32>} : memref<32x2048xf32, #tpu.memory_space<vmem>>, vector<16xf32>,
      %parallel_loop3A_228 = arith.constant 16 : i32
      %parallel_loop3A_229 = arith.muli %parallel_loop3A_53, %parallel_loop3A_228 : i32
      %parallel_loop3A_230 = arith.constant 29 : i32
      %parallel_loop3A_231 = arith.index_cast %parallel_loop3A_230 : i32 to index
      %parallel_loop3A_232 = arith.index_cast %parallel_loop3A_229 : i32 to index
      %parallel_loop3A_233 = tpu.vector_load %arg6[%parallel_loop3A_231, %parallel_loop3A_232] {strides = array<i32>} : memref<32x2048xf32, #tpu.memory_space<vmem>>, vector<16xf32>,
      tpu.vector_store %arg6[%parallel_loop3A_231, %parallel_loop3A_232], %broadcast_in_dim3A_16 {strides = array<i32>} : memref<32x2048xf32, #tpu.memory_space<vmem>>, vector<16xf32>,
      %parallel_loop3A_234 = arith.constant 16 : i32
      %parallel_loop3A_235 = arith.muli %parallel_loop3A_53, %parallel_loop3A_234 : i32
      %parallel_loop3A_236 = arith.constant 30 : i32
      %parallel_loop3A_237 = arith.index_cast %parallel_loop3A_236 : i32 to index
      %parallel_loop3A_238 = arith.index_cast %parallel_loop3A_235 : i32 to index
      %parallel_loop3A_239 = tpu.vector_load %arg6[%parallel_loop3A_237, %parallel_loop3A_238] {strides = array<i32>} : memref<32x2048xf32, #tpu.memory_space<vmem>>, vector<16xf32>,
      tpu.vector_store %arg6[%parallel_loop3A_237, %parallel_loop3A_238], %broadcast_in_dim3A_16 {strides = array<i32>} : memref<32x2048xf32, #tpu.memory_space<vmem>>, vector<16xf32>,
      %parallel_loop3A_240 = arith.constant 16 : i32
      %parallel_loop3A_241 = arith.muli %parallel_loop3A_53, %parallel_loop3A_240 : i32
      %parallel_loop3A_242 = arith.constant 31 : i32
      %parallel_loop3A_243 = arith.index_cast %parallel_loop3A_242 : i32 to index
      %parallel_loop3A_244 = arith.index_cast %parallel_loop3A_241 : i32 to index
      %parallel_loop3A_245 = tpu.vector_load %arg6[%parallel_loop3A_243, %parallel_loop3A_244] {strides = array<i32>} : memref<32x2048xf32, #tpu.memory_space<vmem>>, vector<16xf32>,
      tpu.vector_store %arg6[%parallel_loop3A_243, %parallel_loop3A_244], %broadcast_in_dim3A_16 {strides = array<i32>} : memref<32x2048xf32, #tpu.memory_space<vmem>>, vector<16xf32>,
    } {sc.loop_unroll_factor = 8 : i64, sc.parallel_access}
    %parallel_loop3A_50 = arith.constant 0 : i32
    %parallel_loop3A_51 = arith.constant 1024 : i32
    %parallel_loop3A_52 = arith.constant 1 : i32
    scf.for %parallel_loop3A_53 = %parallel_loop3A_50 to %parallel_loop3A_51 step %parallel_loop3A_52  : i32 {
      %parallel_loop3A_54 = arith.constant 16 : i32
      %parallel_loop3A_55 = arith.muli %parallel_loop3A_53, %parallel_loop3A_54 : i32
      %parallel_loop3A_56 = arith.index_cast %parallel_loop3A_55 : i32 to index
      %parallel_loop3A_57 = tpu.vector_load %arg4[%parallel_loop3A_56] {strides = array<i32>} : memref<16384xi32, #tpu.memory_space<vmem>>, vector<16xi32>,
      %parallel_loop3A_58 = arith.constant 16 : i32
      %parallel_loop3A_59 = arith.muli %parallel_loop3A_53, %parallel_loop3A_58 : i32
      %parallel_loop3A_60 = arith.index_cast %parallel_loop3A_59 : i32 to index
      %parallel_loop3A_61 = tpu.vector_load %arg5[%parallel_loop3A_60] {strides = array<i32>} : memref<16384xi32, #tpu.memory_space<vmem>>, vector<16xi32>,
      %parallel_loop3A_62 = vector.broadcast %mul3A_46 : i32 to vector<16xi32>
      %parallel_loop3A_63 = arith.subi %parallel_loop3A_57, %parallel_loop3A_62 : vector<16xi32>
      %parallel_loop3A_64 = arith.constant 32 : i32
      %parallel_loop3A_65 = vector.broadcast %parallel_loop3A_64 : i32 to vector<16xi32>
      %parallel_loop3A_66 = arith.cmpi ult, %parallel_loop3A_63, %parallel_loop3A_65 : vector<16xi32>
      %parallel_loop3A_67 = arith.constant 31 : i32
      %parallel_loop3A_68 = vector.broadcast %parallel_loop3A_67 : i32 to vector<16xi32>
      %parallel_loop3A_69 = arith.minui %parallel_loop3A_63, %parallel_loop3A_68 : vector<16xi32>
      tpu.vector_store_idx %arg6[%parallel_loop3A_69, %parallel_loop3A_61], %broadcast_in_dim3A_14 masked %parallel_loop3A_66 {add = true} : memref<32x2048xf32, #tpu.memory_space<vmem>>[vector<16xi32>, vector<16xi32>], vector<16xf32>, vector<16xi1>
    } {sc.loop_unroll_factor = 8 : i64, sc.parallel_access}
    "tpu.region"() ({
      %run_scoped3A = tpu.sem_alloc : memref<!tpu.dma_semaphore, #tpu.memory_space<semaphore_mem>>
      %dma_start3A_53 = arith.constant 0 : i32
      %dma_start3A_54 = tpu.memref_slice %arg3[%mul3A_46, %dma_start3A_53] : memref<2048x2048xf32, #tpu.memory_space<hbm>> -> memref<32x2048xf32, #tpu.memory_space<hbm>>
      %dma_start3A_55 = arith.constant 0 : i32
      %dma_start3A_56 = tpu.memref_slice %arg3[%mul3A_46, %dma_start3A_55] : memref<2048x2048xf32, #tpu.memory_space<hbm>> -> memref<32x2048xf32, #tpu.memory_space<hbm>>
      tpu.enqueue_dma source(%arg6 : memref<32x2048xf32, #tpu.memory_space<vmem>>) target(%dma_start3A_56 : memref<32x2048xf32, #tpu.memory_space<hbm>>) target_semaphore(%run_scoped3A : memref<!tpu.dma_semaphore, #tpu.memory_space<semaphore_mem>>)
      %dma_wait3A_57 = arith.constant 0 : i32
      %dma_wait3A_58 = tpu.memref_slice %arg3[%mul3A_46, %dma_wait3A_57] : memref<2048x2048xf32, #tpu.memory_space<hbm>> -> memref<32x2048xf32, #tpu.memory_space<hbm>>
      %dma_wait3A_59 = arith.constant 0 : i32
      %dma_wait3A_60 = tpu.memref_slice %arg3[%mul3A_46, %dma_wait3A_59] : memref<2048x2048xf32, #tpu.memory_space<hbm>> -> memref<32x2048xf32, #tpu.memory_space<hbm>>
      tpu.wait_dma2 semaphore(%run_scoped3A : memref<!tpu.dma_semaphore, #tpu.memory_space<semaphore_mem>>) src(%arg6 : memref<32x2048xf32, #tpu.memory_space<vmem>>) dst(%dma_wait3A_60 : memref<32x2048xf32, #tpu.memory_space<hbm>>)
      tpu.yield
    }) : () -> ()
    return
  }
}

module attributes {stable_mosaic.version = 14 : i64} {
  func.func @_mm1_body(%arg0: i32, %arg1: memref<256x512xf32, #tpu.memory_space<vmem>>, %arg2: memref<512x512xf32, #tpu.memory_space<vmem>>, %arg3: memref<2x256xf32, #tpu.memory_space<vmem>>, %arg4: memref<2x256xf32, #tpu.memory_space<vmem>>, %arg5: memref<512x512xf32, #tpu.memory_space<vmem>>, %arg6: memref<512x128xf32, #tpu.memory_space<vmem>>, %arg7: memref<256x512xbf16, #tpu.memory_space<vmem>>, %arg8: memref<256x128xf32, #tpu.memory_space<vmem>>, %arg9: memref<128x256xf32, #tpu.memory_space<vmem>>, %arg10: memref<512x128xf32, #tpu.memory_space<vmem>>) attributes {dimension_semantics = [#tpu.dimension_semantics<arbitrary>], iteration_bounds = array<i64: 8>, scalar_prefetch = 0 : i64, scratch_operands = 0 : i64, tpu.core_type = #tpu.core_type<tc>, window_params = [{transform_indices = @transform_0, window_bounds = array<i64: 256, 512>}, {pipeline_mode = #tpu.pipeline_mode<synchronous>, transform_indices = @transform_1, window_bounds = array<i64: 512, 512>}, {pipeline_mode = #tpu.pipeline_mode<synchronous>, transform_indices = @transform_2, window_bounds = array<i64: 2, 256>}, {pipeline_mode = #tpu.pipeline_mode<synchronous>, transform_indices = @transform_3, window_bounds = array<i64: 2, 256>}, {transform_indices = @transform_4, window_bounds = array<i64: 512, 512>}, {transform_indices = @transform_5, window_bounds = array<i64: 512, 128>}, {transform_indices = @transform_6, window_bounds = array<i64: 256, 512>}, {transform_indices = @transform_7, window_bounds = array<i64: 256, 128>}, {transform_indices = @transform_8, window_bounds = array<i64: 128, 256>}, {pipeline_mode = #tpu.pipeline_mode<synchronous>, transform_indices = @transform_9, window_bounds = array<i64: 512, 128>}]} {
    %eq3A = arith.constant 0 : i32
    %eq3A_0 = arith.cmpi eq, %arg0, %eq3A : i32
    %convert_element_type3A = arith.extui %eq3A_0 : i1 to i32
    %cond3A = arith.constant 0 : i32
    %cond3A_1 = arith.cmpi ne, %convert_element_type3A, %cond3A : i32
    scf.if %cond3A_1 {
      %broadcast_in_dim3A_65 = arith.constant 0.000000e+00 : f32
      %broadcast_in_dim3A_66 = vector.broadcast %broadcast_in_dim3A_65 : f32 to vector<512x128xf32>
      %swap3A_67 = arith.constant 0 : index
      %swap3A_68 = arith.constant 0 : index
      %swap3A_69 = vector.load %arg10[%swap3A_67, %swap3A_68] : memref<512x128xf32, #tpu.memory_space<vmem>>, vector<512x128xf32>
      tpu.vector_store %arg10[%swap3A_67, %swap3A_68], %broadcast_in_dim3A_66 {strides = array<i32>} : memref<512x128xf32, #tpu.memory_space<vmem>>, vector<512x128xf32>,
    } else {
    }
    %get3A = arith.constant 0 : index
    %get3A_2 = arith.constant 0 : index
    %get3A_3 = vector.load %arg1[%get3A, %get3A_2] : memref<256x512xf32, #tpu.memory_space<vmem>>, vector<256x512xf32>
    %get3A_4 = arith.constant 0 : index
    %get3A_5 = arith.constant 0 : index
    %get3A_6 = vector.load %arg2[%get3A_4, %get3A_5] : memref<512x512xf32, #tpu.memory_space<vmem>>, vector<512x512xf32>
    %dot_general3A = arith.constant dense<0.000000e+00> : vector<256x512xf32>
    %dot_general3A_7 = tpu.matmul %get3A_3, %get3A_6, %dot_general3A {dimension_numbers = #tpu.dot_dimension_numbers<[1], [0], [0], [1], [0, 0, 1, 1], [], []>, transpose_lhs_hint = false} : vector<256x512xf32>, vector<512x512xf32>, vector<256x512xf32> -> vector<256x512xf32>
    %convert_element_type3A_8 = arith.truncf %dot_general3A_7 : vector<256x512xf32> to vector<256x512xbf16>
    %swap3A = arith.constant 0 : index
    %swap3A_9 = arith.constant 0 : index
    %swap3A_10 = vector.load %arg7[%swap3A, %swap3A_9] : memref<256x512xbf16, #tpu.memory_space<vmem>>, vector<256x512xbf16>
    tpu.vector_store %arg7[%swap3A, %swap3A_9], %convert_element_type3A_8 {strides = array<i32>} : memref<256x512xbf16, #tpu.memory_space<vmem>>, vector<256x512xbf16>,
    %slice3A = vector.extract_strided_slice %dot_general3A_7 {offsets = [0, 0], sizes = [256, 256], strides = [1, 1]} : vector<256x512xf32> to vector<256x256xf32>
    %get3A_11 = arith.constant 0 : index
    %get3A_12 = arith.constant 0 : index
    %get3A_13 = vector.load %arg3[%get3A_11, %get3A_12] : memref<2x256xf32, #tpu.memory_space<vmem>>, vector<1x256xf32>
    %mul3A = vector.broadcast %get3A_13 : vector<1x256xf32> to vector<256x256xf32>
    %mul3A_14 = arith.mulf %slice3A, %mul3A : vector<256x256xf32>
    %reduce_sum3A = arith.constant dense<0.000000e+00> : vector<256xf32>
    %reduce_sum3A_15 = vector.multi_reduction <add>, %mul3A_14, %reduce_sum3A [1] : vector<256x256xf32> to vector<256xf32>
    %broadcast_in_dim3A = vector.shape_cast %reduce_sum3A_15 : vector<256xf32> to vector<256x1xf32>
    %slice3A_16 = vector.extract_strided_slice %dot_general3A_7 {offsets = [0, 256], sizes = [256, 256], strides = [1, 1]} : vector<256x512xf32> to vector<256x256xf32>
    %get3A_17 = arith.constant 1 : index
    %get3A_18 = arith.constant 0 : index
    %get3A_19 = vector.load %arg3[%get3A_17, %get3A_18] : memref<2x256xf32, #tpu.memory_space<vmem>>, vector<1x256xf32>
    %mul3A_20 = vector.broadcast %get3A_19 : vector<1x256xf32> to vector<256x256xf32>
    %mul3A_21 = arith.mulf %slice3A_16, %mul3A_20 : vector<256x256xf32>
    %reduce_sum3A_22 = arith.constant dense<0.000000e+00> : vector<256xf32>
    %reduce_sum3A_23 = vector.multi_reduction <add>, %mul3A_21, %reduce_sum3A_22 [1] : vector<256x256xf32> to vector<256xf32>
    %broadcast_in_dim3A_24 = vector.shape_cast %reduce_sum3A_23 : vector<256xf32> to vector<256x1xf32>
    %slice3A_25 = vector.extract_strided_slice %dot_general3A_7 {offsets = [0, 0], sizes = [256, 256], strides = [1, 1]} : vector<256x512xf32> to vector<256x256xf32>
    %get3A_26 = arith.constant 0 : index
    %get3A_27 = arith.constant 0 : index
    %get3A_28 = vector.load %arg4[%get3A_26, %get3A_27] : memref<2x256xf32, #tpu.memory_space<vmem>>, vector<1x256xf32>
    %mul3A_29 = vector.broadcast %get3A_28 : vector<1x256xf32> to vector<256x256xf32>
    %mul3A_30 = arith.mulf %slice3A_25, %mul3A_29 : vector<256x256xf32>
    %reduce_sum3A_31 = arith.constant dense<0.000000e+00> : vector<256xf32>
    %reduce_sum3A_32 = vector.multi_reduction <add>, %mul3A_30, %reduce_sum3A_31 [1] : vector<256x256xf32> to vector<256xf32>
    %broadcast_in_dim3A_33 = vector.shape_cast %reduce_sum3A_32 : vector<256xf32> to vector<256x1xf32>
    %slice3A_34 = vector.extract_strided_slice %dot_general3A_7 {offsets = [0, 256], sizes = [256, 256], strides = [1, 1]} : vector<256x512xf32> to vector<256x256xf32>
    %get3A_35 = arith.constant 1 : index
    %get3A_36 = arith.constant 0 : index
    %get3A_37 = vector.load %arg4[%get3A_35, %get3A_36] : memref<2x256xf32, #tpu.memory_space<vmem>>, vector<1x256xf32>
    %mul3A_38 = vector.broadcast %get3A_37 : vector<1x256xf32> to vector<256x256xf32>
    %mul3A_39 = arith.mulf %slice3A_34, %mul3A_38 : vector<256x256xf32>
    %reduce_sum3A_40 = arith.constant dense<0.000000e+00> : vector<256xf32>
    %reduce_sum3A_41 = vector.multi_reduction <add>, %mul3A_39, %reduce_sum3A_40 [1] : vector<256x256xf32> to vector<256xf32>
    %broadcast_in_dim3A_42 = vector.shape_cast %reduce_sum3A_41 : vector<256xf32> to vector<256x1xf32>
    %broadcast_in_dim3A_43 = arith.constant 0.000000e+00 : f32
    %broadcast_in_dim3A_44 = vector.broadcast %broadcast_in_dim3A_43 : f32 to vector<256x124xf32>
    %concatenate3A = tpu.concatenate %broadcast_in_dim3A, %broadcast_in_dim3A_24, %broadcast_in_dim3A_33, %broadcast_in_dim3A_42, %broadcast_in_dim3A_44 in 1 : vector<256x1xf32>, vector<256x1xf32>, vector<256x1xf32>, vector<256x1xf32>, vector<256x124xf32> -> vector<256x128xf32>
    %swap3A_45 = arith.constant 0 : index
    %swap3A_46 = arith.constant 0 : index
    %swap3A_47 = vector.load %arg8[%swap3A_45, %swap3A_46] : memref<256x128xf32, #tpu.memory_space<vmem>>, vector<256x128xf32>
    tpu.vector_store %arg8[%swap3A_45, %swap3A_46], %concatenate3A {strides = array<i32>} : memref<256x128xf32, #tpu.memory_space<vmem>>, vector<256x128xf32>,
    %transpose3A = tpu.transpose %concatenate3A, [1, 0] : vector<256x128xf32> -> vector<128x256xf32>
    %swap3A_48 = arith.constant 0 : index
    %swap3A_49 = arith.constant 0 : index
    %swap3A_50 = vector.load %arg9[%swap3A_48, %swap3A_49] : memref<128x256xf32, #tpu.memory_space<vmem>>, vector<128x256xf32>
    tpu.vector_store %arg9[%swap3A_48, %swap3A_49], %transpose3A {strides = array<i32>} : memref<128x256xf32, #tpu.memory_space<vmem>>, vector<128x256xf32>,
    %get3A_51 = arith.constant 0 : index
    %get3A_52 = arith.constant 0 : index
    %get3A_53 = vector.load %arg10[%get3A_51, %get3A_52] : memref<512x128xf32, #tpu.memory_space<vmem>>, vector<512x128xf32>
    %get3A_54 = arith.constant 0 : index
    %get3A_55 = arith.constant 0 : index
    %get3A_56 = vector.load %arg5[%get3A_54, %get3A_55] : memref<512x512xf32, #tpu.memory_space<vmem>>, vector<512x512xf32>
    %get3A_57 = arith.constant 0 : index
    %get3A_58 = arith.constant 0 : index
    %get3A_59 = vector.load %arg6[%get3A_57, %get3A_58] : memref<512x128xf32, #tpu.memory_space<vmem>>, vector<512x128xf32>
    %dot_general3A_60 = arith.constant dense<0.000000e+00> : vector<512x128xf32>
    %dot_general3A_61 = tpu.matmul %get3A_56, %get3A_59, %dot_general3A_60 {dimension_numbers = #tpu.dot_dimension_numbers<[1], [0], [0], [1], [0, 0, 1, 1], [], []>, transpose_lhs_hint = false} : vector<512x512xf32>, vector<512x128xf32>, vector<512x128xf32> -> vector<512x128xf32>
    %add3A = arith.addf %get3A_53, %dot_general3A_61 : vector<512x128xf32>
    %swap3A_62 = arith.constant 0 : index
    %swap3A_63 = arith.constant 0 : index
    %swap3A_64 = vector.load %arg10[%swap3A_62, %swap3A_63] : memref<512x128xf32, #tpu.memory_space<vmem>>, vector<512x128xf32>
    tpu.vector_store %arg10[%swap3A_62, %swap3A_63], %add3A {strides = array<i32>} : memref<512x128xf32, #tpu.memory_space<vmem>>, vector<512x128xf32>,
    return
  }
  func.func @transform_0(%arg0: i32) -> (i32, i32) {
    %c0_i32 = arith.constant 0 : i32
    %c0_i32_0 = arith.constant 0 : i32
    return %arg0, %c0_i32 : i32, i32
  }
  func.func @transform_1(%arg0: i32) -> (i32, i32) {
    %c0_i32 = arith.constant 0 : i32
    %c0_i32_0 = arith.constant 0 : i32
    %c0_i32_1 = arith.constant 0 : i32
    return %c0_i32, %c0_i32_0 : i32, i32
  }
  func.func @transform_2(%arg0: i32) -> (i32, i32) {
    %c0_i32 = arith.constant 0 : i32
    %c0_i32_0 = arith.constant 0 : i32
    %c0_i32_1 = arith.constant 0 : i32
    return %c0_i32, %c0_i32_0 : i32, i32
  }
  func.func @transform_3(%arg0: i32) -> (i32, i32) {
    %c0_i32 = arith.constant 0 : i32
    %c0_i32_0 = arith.constant 0 : i32
    %c0_i32_1 = arith.constant 0 : i32
    return %c0_i32, %c0_i32_0 : i32, i32
  }
  func.func @transform_4(%arg0: i32) -> (i32, i32) {
    %c0_i32 = arith.constant 0 : i32
    %c0_i32_0 = arith.constant 0 : i32
    return %c0_i32, %arg0 : i32, i32
  }
  func.func @transform_5(%arg0: i32) -> (i32, i32) {
    %c0_i32 = arith.constant 0 : i32
    %c0_i32_0 = arith.constant 0 : i32
    return %arg0, %c0_i32 : i32, i32
  }
  func.func @transform_6(%arg0: i32) -> (i32, i32) {
    %c0_i32 = arith.constant 0 : i32
    %c0_i32_0 = arith.constant 0 : i32
    return %arg0, %c0_i32 : i32, i32
  }
  func.func @transform_7(%arg0: i32) -> (i32, i32) {
    %c0_i32 = arith.constant 0 : i32
    %c0_i32_0 = arith.constant 0 : i32
    return %arg0, %c0_i32 : i32, i32
  }
  func.func @transform_8(%arg0: i32) -> (i32, i32) {
    %c0_i32 = arith.constant 0 : i32
    %c0_i32_0 = arith.constant 0 : i32
    return %c0_i32, %arg0 : i32, i32
  }
  func.func @transform_9(%arg0: i32) -> (i32, i32) {
    %c0_i32 = arith.constant 0 : i32
    %c0_i32_0 = arith.constant 0 : i32
    %c0_i32_1 = arith.constant 0 : i32
    return %c0_i32, %c0_i32_0 : i32, i32
  }
}

module attributes {stable_mosaic.version = 14 : i64} {
  func.func @_agg1_body(%arg0: i32, %arg1: memref<512x128xf32, #tpu.memory_space<vmem>>, %arg2: memref<128x2048xf32, #tpu.memory_space<vmem>>, %arg3: memref<512x2048xf32, #tpu.memory_space<vmem>>, %arg4: memref<2048x512xbf16, #tpu.memory_space<vmem>>, %arg5: memref<512x128xf32, #tpu.memory_space<vmem>>, %arg6: memref<1x512xf32, #tpu.memory_space<vmem>>, %arg7: memref<512x512xbf16, #tpu.memory_space<vmem>>, %arg8: memref<512x128xf32, #tpu.memory_space<vmem>>, %arg9: memref<128x512xf32, #tpu.memory_space<vmem>>) attributes {dimension_semantics = [#tpu.dimension_semantics<arbitrary>], iteration_bounds = array<i64: 4>, scalar_prefetch = 0 : i64, scratch_operands = 0 : i64, tpu.core_type = #tpu.core_type<tc>, window_params = [{transform_indices = @transform_0, window_bounds = array<i64: 512, 128>}, {pipeline_mode = #tpu.pipeline_mode<synchronous>, transform_indices = @transform_1, window_bounds = array<i64: 128, 2048>}, {transform_indices = @transform_2, window_bounds = array<i64: 512, 2048>}, {pipeline_mode = #tpu.pipeline_mode<synchronous>, transform_indices = @transform_3, window_bounds = array<i64: 2048, 512>}, {pipeline_mode = #tpu.pipeline_mode<synchronous>, transform_indices = @transform_4, window_bounds = array<i64: 512, 128>}, {pipeline_mode = #tpu.pipeline_mode<synchronous>, transform_indices = @transform_5, window_bounds = array<i64: 1, 512>}, {transform_indices = @transform_6, window_bounds = array<i64: 512, 512>}, {transform_indices = @transform_7, window_bounds = array<i64: 512, 128>}, {transform_indices = @transform_8, window_bounds = array<i64: 128, 512>}]} {
    %get3A = arith.constant 0 : index
    %get3A_0 = arith.constant 0 : index
    %get3A_1 = vector.load %arg3[%get3A, %get3A_0] : memref<512x2048xf32, #tpu.memory_space<vmem>>, vector<512x2048xf32>
    %get3A_2 = arith.constant 0 : index
    %get3A_3 = arith.constant 0 : index
    %get3A_4 = vector.load %arg4[%get3A_2, %get3A_3] : memref<2048x512xbf16, #tpu.memory_space<vmem>>, vector<2048x512xbf16>
    %get3A_5 = arith.constant 0 : index
    %get3A_6 = arith.constant 0 : index
    %get3A_7 = vector.load %arg2[%get3A_5, %get3A_6] : memref<128x2048xf32, #tpu.memory_space<vmem>>, vector<1x2048xf32>
    %get3A_8 = arith.constant 0 : index
    %get3A_9 = arith.constant 2 : index
    %get3A_10 = vector.load %arg1[%get3A_8, %get3A_9] : memref<512x128xf32, #tpu.memory_space<vmem>>, vector<512x1xf32>
    %add3A = vector.broadcast %get3A_7 : vector<1x2048xf32> to vector<512x2048xf32>
    %add3A_11 = vector.broadcast %get3A_10 : vector<512x1xf32> to vector<512x2048xf32>
    %add3A_12 = arith.addf %add3A, %add3A_11 : vector<512x2048xf32>
    %mul3A = arith.constant 2.000000e-01 : f32
    %mul3A_13 = vector.broadcast %mul3A : f32 to vector<512x2048xf32>
    %mul3A_14 = arith.mulf %mul3A_13, %add3A_12 : vector<512x2048xf32>
    %max3A = arith.maximumf %add3A_12, %mul3A_14 : vector<512x2048xf32>
    %exp3A = math.exp %max3A : vector<512x2048xf32>
    %mul3A_15 = arith.mulf %get3A_1, %exp3A : vector<512x2048xf32>
    %convert_element_type3A = arith.truncf %mul3A_15 : vector<512x2048xf32> to vector<512x2048xbf16>
    %slice3A = vector.extract_strided_slice %get3A_4 {offsets = [0, 0], sizes = [2048, 256], strides = [1, 1]} : vector<2048x512xbf16> to vector<2048x256xbf16>
    %dot_general3A = arith.constant dense<0.000000e+00> : vector<512x256xf32>
    %dot_general3A_16 = tpu.matmul %convert_element_type3A, %slice3A, %dot_general3A {dimension_numbers = #tpu.dot_dimension_numbers<[1], [0], [0], [1], [0, 0, 1, 1], [], []>, transpose_lhs_hint = false} : vector<512x2048xbf16>, vector<2048x256xbf16>, vector<512x256xf32> -> vector<512x256xf32>
    %reduce_sum3A = arith.constant dense<0.000000e+00> : vector<512xf32>
    %reduce_sum3A_17 = vector.multi_reduction <add>, %mul3A_15, %reduce_sum3A [1] : vector<512x2048xf32> to vector<512xf32>
    %broadcast_in_dim3A = vector.shape_cast %reduce_sum3A_17 : vector<512xf32> to vector<512x1xf32>
    %add3A_18 = arith.constant 1.000000e-16 : f32
    %add3A_19 = vector.broadcast %add3A_18 : f32 to vector<512x1xf32>
    %add3A_20 = arith.addf %broadcast_in_dim3A, %add3A_19 : vector<512x1xf32>
    %div3A = vector.broadcast %add3A_20 : vector<512x1xf32> to vector<512x256xf32>
    %div3A_21 = arith.divf %dot_general3A_16, %div3A : vector<512x256xf32>
    %get3A_22 = arith.constant 1 : index
    %get3A_23 = arith.constant 0 : index
    %get3A_24 = vector.load %arg2[%get3A_22, %get3A_23] : memref<128x2048xf32, #tpu.memory_space<vmem>>, vector<1x2048xf32>
    %get3A_25 = arith.constant 0 : index
    %get3A_26 = arith.constant 3 : index
    %get3A_27 = vector.load %arg1[%get3A_25, %get3A_26] : memref<512x128xf32, #tpu.memory_space<vmem>>, vector<512x1xf32>
    %add3A_28 = vector.broadcast %get3A_24 : vector<1x2048xf32> to vector<512x2048xf32>
    %add3A_29 = vector.broadcast %get3A_27 : vector<512x1xf32> to vector<512x2048xf32>
    %add3A_30 = arith.addf %add3A_28, %add3A_29 : vector<512x2048xf32>
    %mul3A_31 = arith.constant 2.000000e-01 : f32
    %mul3A_32 = vector.broadcast %mul3A_31 : f32 to vector<512x2048xf32>
    %mul3A_33 = arith.mulf %mul3A_32, %add3A_30 : vector<512x2048xf32>
    %max3A_34 = arith.maximumf %add3A_30, %mul3A_33 : vector<512x2048xf32>
    %exp3A_35 = math.exp %max3A_34 : vector<512x2048xf32>
    %mul3A_36 = arith.mulf %get3A_1, %exp3A_35 : vector<512x2048xf32>
    %convert_element_type3A_37 = arith.truncf %mul3A_36 : vector<512x2048xf32> to vector<512x2048xbf16>
    %slice3A_38 = vector.extract_strided_slice %get3A_4 {offsets = [0, 256], sizes = [2048, 256], strides = [1, 1]} : vector<2048x512xbf16> to vector<2048x256xbf16>
    %dot_general3A_39 = arith.constant dense<0.000000e+00> : vector<512x256xf32>
    %dot_general3A_40 = tpu.matmul %convert_element_type3A_37, %slice3A_38, %dot_general3A_39 {dimension_numbers = #tpu.dot_dimension_numbers<[1], [0], [0], [1], [0, 0, 1, 1], [], []>, transpose_lhs_hint = false} : vector<512x2048xbf16>, vector<2048x256xbf16>, vector<512x256xf32> -> vector<512x256xf32>
    %reduce_sum3A_41 = arith.constant dense<0.000000e+00> : vector<512xf32>
    %reduce_sum3A_42 = vector.multi_reduction <add>, %mul3A_36, %reduce_sum3A_41 [1] : vector<512x2048xf32> to vector<512xf32>
    %broadcast_in_dim3A_43 = vector.shape_cast %reduce_sum3A_42 : vector<512xf32> to vector<512x1xf32>
    %add3A_44 = arith.constant 1.000000e-16 : f32
    %add3A_45 = vector.broadcast %add3A_44 : f32 to vector<512x1xf32>
    %add3A_46 = arith.addf %broadcast_in_dim3A_43, %add3A_45 : vector<512x1xf32>
    %div3A_47 = vector.broadcast %add3A_46 : vector<512x1xf32> to vector<512x256xf32>
    %div3A_48 = arith.divf %dot_general3A_40, %div3A_47 : vector<512x256xf32>
    %concatenate3A = tpu.concatenate %div3A_21, %div3A_48 in 1 : vector<512x256xf32>, vector<512x256xf32> -> vector<512x512xf32>
    %get3A_49 = arith.constant 0 : index
    %get3A_50 = arith.constant 0 : index
    %get3A_51 = vector.load %arg6[%get3A_49, %get3A_50] : memref<1x512xf32, #tpu.memory_space<vmem>>, vector<1x512xf32>
    %add3A_52 = vector.broadcast %get3A_51 : vector<1x512xf32> to vector<512x512xf32>
    %add3A_53 = arith.addf %concatenate3A, %add3A_52 : vector<512x512xf32>
    %gt3A = arith.constant 0.000000e+00 : f32
    %gt3A_54 = vector.broadcast %gt3A : f32 to vector<512x512xf32>
    %gt3A_55 = arith.cmpf ogt, %add3A_53, %gt3A_54 : vector<512x512xf32>
    %min3A = arith.constant 0.000000e+00 : f32
    %min3A_56 = vector.broadcast %min3A : f32 to vector<512x512xf32>
    %min3A_57 = arith.minimumf %add3A_53, %min3A_56 : vector<512x512xf32>
    %exp3A_58 = math.exp %min3A_57 : vector<512x512xf32>
    %sub3A = arith.constant 1.000000e+00 : f32
    %sub3A_59 = vector.broadcast %sub3A : f32 to vector<512x512xf32>
    %sub3A_60 = arith.subf %exp3A_58, %sub3A_59 : vector<512x512xf32>
    %select_n3A = arith.select %gt3A_55, %add3A_53, %sub3A_60 : vector<512x512xi1>, vector<512x512xf32>
    %convert_element_type3A_61 = arith.truncf %select_n3A : vector<512x512xf32> to vector<512x512xbf16>
    %swap3A = arith.constant 0 : index
    %swap3A_62 = arith.constant 0 : index
    %swap3A_63 = vector.load %arg7[%swap3A, %swap3A_62] : memref<512x512xbf16, #tpu.memory_space<vmem>>, vector<512x512xbf16>
    tpu.vector_store %arg7[%swap3A, %swap3A_62], %convert_element_type3A_61 {strides = array<i32>} : memref<512x512xbf16, #tpu.memory_space<vmem>>, vector<512x512xbf16>,
    %get3A_64 = arith.constant 0 : index
    %get3A_65 = arith.constant 0 : index
    %get3A_66 = vector.load %arg5[%get3A_64, %get3A_65] : memref<512x128xf32, #tpu.memory_space<vmem>>, vector<512x128xf32>
    %dot_general3A_67 = arith.constant dense<0.000000e+00> : vector<512x128xf32>
    %dot_general3A_68 = tpu.matmul %select_n3A, %get3A_66, %dot_general3A_67 {dimension_numbers = #tpu.dot_dimension_numbers<[1], [0], [0], [1], [0, 0, 1, 1], [], []>, transpose_lhs_hint = false} : vector<512x512xf32>, vector<512x128xf32>, vector<512x128xf32> -> vector<512x128xf32>
    %swap3A_69 = arith.constant 0 : index
    %swap3A_70 = arith.constant 0 : index
    %swap3A_71 = vector.load %arg8[%swap3A_69, %swap3A_70] : memref<512x128xf32, #tpu.memory_space<vmem>>, vector<512x128xf32>
    tpu.vector_store %arg8[%swap3A_69, %swap3A_70], %dot_general3A_68 {strides = array<i32>} : memref<512x128xf32, #tpu.memory_space<vmem>>, vector<512x128xf32>,
    %transpose3A = tpu.transpose %dot_general3A_68, [1, 0] : vector<512x128xf32> -> vector<128x512xf32>
    %swap3A_72 = arith.constant 0 : index
    %swap3A_73 = arith.constant 0 : index
    %swap3A_74 = vector.load %arg9[%swap3A_72, %swap3A_73] : memref<128x512xf32, #tpu.memory_space<vmem>>, vector<128x512xf32>
    tpu.vector_store %arg9[%swap3A_72, %swap3A_73], %transpose3A {strides = array<i32>} : memref<128x512xf32, #tpu.memory_space<vmem>>, vector<128x512xf32>,
    return
  }
  func.func @transform_0(%arg0: i32) -> (i32, i32) {
    %c0_i32 = arith.constant 0 : i32
    %c0_i32_0 = arith.constant 0 : i32
    return %arg0, %c0_i32 : i32, i32
  }
  func.func @transform_1(%arg0: i32) -> (i32, i32) {
    %c0_i32 = arith.constant 0 : i32
    %c0_i32_0 = arith.constant 0 : i32
    %c0_i32_1 = arith.constant 0 : i32
    return %c0_i32, %c0_i32_0 : i32, i32
  }
  func.func @transform_2(%arg0: i32) -> (i32, i32) {
    %c0_i32 = arith.constant 0 : i32
    %c0_i32_0 = arith.constant 0 : i32
    return %arg0, %c0_i32 : i32, i32
  }
  func.func @transform_3(%arg0: i32) -> (i32, i32) {
    %c0_i32 = arith.constant 0 : i32
    %c0_i32_0 = arith.constant 0 : i32
    %c0_i32_1 = arith.constant 0 : i32
    return %c0_i32, %c0_i32_0 : i32, i32
  }
  func.func @transform_4(%arg0: i32) -> (i32, i32) {
    %c0_i32 = arith.constant 0 : i32
    %c0_i32_0 = arith.constant 0 : i32
    %c0_i32_1 = arith.constant 0 : i32
    return %c0_i32, %c0_i32_0 : i32, i32
  }
  func.func @transform_5(%arg0: i32) -> (i32, i32) {
    %c0_i32 = arith.constant 0 : i32
    %c0_i32_0 = arith.constant 0 : i32
    %c0_i32_1 = arith.constant 0 : i32
    return %c0_i32, %c0_i32_0 : i32, i32
  }
  func.func @transform_6(%arg0: i32) -> (i32, i32) {
    %c0_i32 = arith.constant 0 : i32
    %c0_i32_0 = arith.constant 0 : i32
    return %arg0, %c0_i32 : i32, i32
  }
  func.func @transform_7(%arg0: i32) -> (i32, i32) {
    %c0_i32 = arith.constant 0 : i32
    %c0_i32_0 = arith.constant 0 : i32
    return %arg0, %c0_i32 : i32, i32
  }
  func.func @transform_8(%arg0: i32) -> (i32, i32) {
    %c0_i32 = arith.constant 0 : i32
    %c0_i32_0 = arith.constant 0 : i32
    return %c0_i32, %arg0 : i32, i32
  }
}

module attributes {stable_mosaic.version = 14 : i64} {
  func.func @_agg2_body(%arg0: i32, %arg1: memref<512x128xf32, #tpu.memory_space<vmem>>, %arg2: memref<128x2048xf32, #tpu.memory_space<vmem>>, %arg3: memref<512x2048xf32, #tpu.memory_space<vmem>>, %arg4: memref<2048x512xbf16, #tpu.memory_space<vmem>>, %arg5: memref<512x1024xbf16, #tpu.memory_space<vmem>>) attributes {dimension_semantics = [#tpu.dimension_semantics<arbitrary>], iteration_bounds = array<i64: 4>, scalar_prefetch = 0 : i64, scratch_operands = 0 : i64, tpu.core_type = #tpu.core_type<tc>, window_params = [{transform_indices = @transform_0, window_bounds = array<i64: 512, 128>}, {pipeline_mode = #tpu.pipeline_mode<synchronous>, transform_indices = @transform_1, window_bounds = array<i64: 128, 2048>}, {transform_indices = @transform_2, window_bounds = array<i64: 512, 2048>}, {pipeline_mode = #tpu.pipeline_mode<synchronous>, transform_indices = @transform_3, window_bounds = array<i64: 2048, 512>}, {transform_indices = @transform_4, window_bounds = array<i64: 512, 1024>}]} {
    %get3A = arith.constant 0 : index
    %get3A_0 = arith.constant 0 : index
    %get3A_1 = vector.load %arg3[%get3A, %get3A_0] : memref<512x2048xf32, #tpu.memory_space<vmem>>, vector<512x2048xf32>
    %get3A_2 = arith.constant 0 : index
    %get3A_3 = arith.constant 0 : index
    %get3A_4 = vector.load %arg4[%get3A_2, %get3A_3] : memref<2048x512xbf16, #tpu.memory_space<vmem>>, vector<2048x512xbf16>
    %get3A_5 = arith.constant 0 : index
    %get3A_6 = arith.constant 0 : index
    %get3A_7 = vector.load %arg2[%get3A_5, %get3A_6] : memref<128x2048xf32, #tpu.memory_space<vmem>>, vector<1x2048xf32>
    %get3A_8 = arith.constant 0 : index
    %get3A_9 = arith.constant 2 : index
    %get3A_10 = vector.load %arg1[%get3A_8, %get3A_9] : memref<512x128xf32, #tpu.memory_space<vmem>>, vector<512x1xf32>
    %add3A = vector.broadcast %get3A_7 : vector<1x2048xf32> to vector<512x2048xf32>
    %add3A_11 = vector.broadcast %get3A_10 : vector<512x1xf32> to vector<512x2048xf32>
    %add3A_12 = arith.addf %add3A, %add3A_11 : vector<512x2048xf32>
    %mul3A = arith.constant 2.000000e-01 : f32
    %mul3A_13 = vector.broadcast %mul3A : f32 to vector<512x2048xf32>
    %mul3A_14 = arith.mulf %mul3A_13, %add3A_12 : vector<512x2048xf32>
    %max3A = arith.maximumf %add3A_12, %mul3A_14 : vector<512x2048xf32>
    %exp3A = math.exp %max3A : vector<512x2048xf32>
    %mul3A_15 = arith.mulf %get3A_1, %exp3A : vector<512x2048xf32>
    %convert_element_type3A = arith.truncf %mul3A_15 : vector<512x2048xf32> to vector<512x2048xbf16>
    %dot_general3A = arith.constant dense<0.000000e+00> : vector<512x512xf32>
    %dot_general3A_16 = tpu.matmul %convert_element_type3A, %get3A_4, %dot_general3A {dimension_numbers = #tpu.dot_dimension_numbers<[1], [0], [0], [1], [0, 0, 1, 1], [], []>, transpose_lhs_hint = false} : vector<512x2048xbf16>, vector<2048x512xbf16>, vector<512x512xf32> -> vector<512x512xf32>
    %reduce_sum3A = arith.constant dense<0.000000e+00> : vector<512xf32>
    %reduce_sum3A_17 = vector.multi_reduction <add>, %mul3A_15, %reduce_sum3A [1] : vector<512x2048xf32> to vector<512xf32>
    %broadcast_in_dim3A = vector.shape_cast %reduce_sum3A_17 : vector<512xf32> to vector<512x1xf32>
    %add3A_18 = arith.constant 1.000000e-16 : f32
    %add3A_19 = vector.broadcast %add3A_18 : f32 to vector<512x1xf32>
    %add3A_20 = arith.addf %broadcast_in_dim3A, %add3A_19 : vector<512x1xf32>
    %div3A = vector.broadcast %add3A_20 : vector<512x1xf32> to vector<512x512xf32>
    %div3A_21 = arith.divf %dot_general3A_16, %div3A : vector<512x512xf32>
    %convert_element_type3A_22 = arith.truncf %div3A_21 : vector<512x512xf32> to vector<512x512xbf16>
    %get3A_23 = arith.constant 1 : index
    %get3A_24 = arith.constant 0 : index
    %get3A_25 = vector.load %arg2[%get3A_23, %get3A_24] : memref<128x2048xf32, #tpu.memory_space<vmem>>, vector<1x2048xf32>
    %get3A_26 = arith.constant 0 : index
    %get3A_27 = arith.constant 3 : index
    %get3A_28 = vector.load %arg1[%get3A_26, %get3A_27] : memref<512x128xf32, #tpu.memory_space<vmem>>, vector<512x1xf32>
    %add3A_29 = vector.broadcast %get3A_25 : vector<1x2048xf32> to vector<512x2048xf32>
    %add3A_30 = vector.broadcast %get3A_28 : vector<512x1xf32> to vector<512x2048xf32>
    %add3A_31 = arith.addf %add3A_29, %add3A_30 : vector<512x2048xf32>
    %mul3A_32 = arith.constant 2.000000e-01 : f32
    %mul3A_33 = vector.broadcast %mul3A_32 : f32 to vector<512x2048xf32>
    %mul3A_34 = arith.mulf %mul3A_33, %add3A_31 : vector<512x2048xf32>
    %max3A_35 = arith.maximumf %add3A_31, %mul3A_34 : vector<512x2048xf32>
    %exp3A_36 = math.exp %max3A_35 : vector<512x2048xf32>
    %mul3A_37 = arith.mulf %get3A_1, %exp3A_36 : vector<512x2048xf32>
    %convert_element_type3A_38 = arith.truncf %mul3A_37 : vector<512x2048xf32> to vector<512x2048xbf16>
    %dot_general3A_39 = arith.constant dense<0.000000e+00> : vector<512x512xf32>
    %dot_general3A_40 = tpu.matmul %convert_element_type3A_38, %get3A_4, %dot_general3A_39 {dimension_numbers = #tpu.dot_dimension_numbers<[1], [0], [0], [1], [0, 0, 1, 1], [], []>, transpose_lhs_hint = false} : vector<512x2048xbf16>, vector<2048x512xbf16>, vector<512x512xf32> -> vector<512x512xf32>
    %reduce_sum3A_41 = arith.constant dense<0.000000e+00> : vector<512xf32>
    %reduce_sum3A_42 = vector.multi_reduction <add>, %mul3A_37, %reduce_sum3A_41 [1] : vector<512x2048xf32> to vector<512xf32>
    %broadcast_in_dim3A_43 = vector.shape_cast %reduce_sum3A_42 : vector<512xf32> to vector<512x1xf32>
    %add3A_44 = arith.constant 1.000000e-16 : f32
    %add3A_45 = vector.broadcast %add3A_44 : f32 to vector<512x1xf32>
    %add3A_46 = arith.addf %broadcast_in_dim3A_43, %add3A_45 : vector<512x1xf32>
    %div3A_47 = vector.broadcast %add3A_46 : vector<512x1xf32> to vector<512x512xf32>
    %div3A_48 = arith.divf %dot_general3A_40, %div3A_47 : vector<512x512xf32>
    %convert_element_type3A_49 = arith.truncf %div3A_48 : vector<512x512xf32> to vector<512x512xbf16>
    %concatenate3A = tpu.concatenate %convert_element_type3A_22, %convert_element_type3A_49 in 1 : vector<512x512xbf16>, vector<512x512xbf16> -> vector<512x1024xbf16>
    %swap3A = arith.constant 0 : index
    %swap3A_50 = arith.constant 0 : index
    %swap3A_51 = vector.load %arg5[%swap3A, %swap3A_50] : memref<512x1024xbf16, #tpu.memory_space<vmem>>, vector<512x1024xbf16>
    tpu.vector_store %arg5[%swap3A, %swap3A_50], %concatenate3A {strides = array<i32>} : memref<512x1024xbf16, #tpu.memory_space<vmem>>, vector<512x1024xbf16>,
    return
  }
  func.func @transform_0(%arg0: i32) -> (i32, i32) {
    %c0_i32 = arith.constant 0 : i32
    %c0_i32_0 = arith.constant 0 : i32
    return %arg0, %c0_i32 : i32, i32
  }
  func.func @transform_1(%arg0: i32) -> (i32, i32) {
    %c0_i32 = arith.constant 0 : i32
    %c0_i32_0 = arith.constant 0 : i32
    %c0_i32_1 = arith.constant 0 : i32
    return %c0_i32, %c0_i32_0 : i32, i32
  }
  func.func @transform_2(%arg0: i32) -> (i32, i32) {
    %c0_i32 = arith.constant 0 : i32
    %c0_i32_0 = arith.constant 0 : i32
    return %arg0, %c0_i32 : i32, i32
  }
  func.func @transform_3(%arg0: i32) -> (i32, i32) {
    %c0_i32 = arith.constant 0 : i32
    %c0_i32_0 = arith.constant 0 : i32
    %c0_i32_1 = arith.constant 0 : i32
    return %c0_i32, %c0_i32_0 : i32, i32
  }
  func.func @transform_4(%arg0: i32) -> (i32, i32) {
    %c0_i32 = arith.constant 0 : i32
    %c0_i32_0 = arith.constant 0 : i32
    return %arg0, %c0_i32 : i32, i32
  }
}

module attributes {stable_mosaic.version = 14 : i64} {
  func.func @_mm2_body(%arg0: i32, %arg1: memref<512x1024xbf16, #tpu.memory_space<vmem>>, %arg2: memref<512x4096xf32, #tpu.memory_space<vmem>>, %arg3: memref<1x2048xf32, #tpu.memory_space<vmem>>, %arg4: memref<512x2048xf32, #tpu.memory_space<vmem>>) attributes {dimension_semantics = [#tpu.dimension_semantics<arbitrary>], iteration_bounds = array<i64: 4>, scalar_prefetch = 0 : i64, scratch_operands = 0 : i64, tpu.core_type = #tpu.core_type<tc>, window_params = [{transform_indices = @transform_0, window_bounds = array<i64: 512, 1024>}, {pipeline_mode = #tpu.pipeline_mode<synchronous>, transform_indices = @transform_1, window_bounds = array<i64: 512, 4096>}, {pipeline_mode = #tpu.pipeline_mode<synchronous>, transform_indices = @transform_2, window_bounds = array<i64: 1, 2048>}, {transform_indices = @transform_3, window_bounds = array<i64: 512, 2048>}]} {
    %get3A = arith.constant 0 : index
    %get3A_0 = arith.constant 0 : index
    %get3A_1 = vector.load %arg1[%get3A, %get3A_0] : memref<512x1024xbf16, #tpu.memory_space<vmem>>, vector<512x512xbf16>
    %get3A_2 = arith.constant 0 : index
    %get3A_3 = arith.constant 0 : index
    %get3A_4 = vector.load %arg2[%get3A_2, %get3A_3] : memref<512x4096xf32, #tpu.memory_space<vmem>>, vector<512x2048xf32>
    %dot_general3A = arith.constant dense<0.000000e+00> : vector<512x2048xf32>
    %dot_general3A_5 = tpu.matmul %get3A_1, %get3A_4, %dot_general3A {dimension_numbers = #tpu.dot_dimension_numbers<[1], [0], [0], [1], [0, 0, 1, 1], [], []>, transpose_lhs_hint = false} : vector<512x512xbf16>, vector<512x2048xf32>, vector<512x2048xf32> -> vector<512x2048xf32>
    %get3A_6 = arith.constant 0 : index
    %get3A_7 = arith.constant 512 : index
    %get3A_8 = vector.load %arg1[%get3A_6, %get3A_7] : memref<512x1024xbf16, #tpu.memory_space<vmem>>, vector<512x512xbf16>
    %get3A_9 = arith.constant 0 : index
    %get3A_10 = arith.constant 2048 : index
    %get3A_11 = vector.load %arg2[%get3A_9, %get3A_10] : memref<512x4096xf32, #tpu.memory_space<vmem>>, vector<512x2048xf32>
    %dot_general3A_12 = arith.constant dense<0.000000e+00> : vector<512x2048xf32>
    %dot_general3A_13 = tpu.matmul %get3A_8, %get3A_11, %dot_general3A_12 {dimension_numbers = #tpu.dot_dimension_numbers<[1], [0], [0], [1], [0, 0, 1, 1], [], []>, transpose_lhs_hint = false} : vector<512x512xbf16>, vector<512x2048xf32>, vector<512x2048xf32> -> vector<512x2048xf32>
    %add3A = arith.addf %dot_general3A_5, %dot_general3A_13 : vector<512x2048xf32>
    %mul3A = arith.constant 5.000000e-01 : f32
    %mul3A_14 = vector.broadcast %mul3A : f32 to vector<512x2048xf32>
    %mul3A_15 = arith.mulf %mul3A_14, %add3A : vector<512x2048xf32>
    %get3A_16 = arith.constant 0 : index
    %get3A_17 = arith.constant 0 : index
    %get3A_18 = vector.load %arg3[%get3A_16, %get3A_17] : memref<1x2048xf32, #tpu.memory_space<vmem>>, vector<1x2048xf32>
    %add3A_19 = vector.broadcast %get3A_18 : vector<1x2048xf32> to vector<512x2048xf32>
    %add3A_20 = arith.addf %mul3A_15, %add3A_19 : vector<512x2048xf32>
    %swap3A = arith.constant 0 : index
    %swap3A_21 = arith.constant 0 : index
    %swap3A_22 = vector.load %arg4[%swap3A, %swap3A_21] : memref<512x2048xf32, #tpu.memory_space<vmem>>, vector<512x2048xf32>
    tpu.vector_store %arg4[%swap3A, %swap3A_21], %add3A_20 {strides = array<i32>} : memref<512x2048xf32, #tpu.memory_space<vmem>>, vector<512x2048xf32>,
    return
  }
  func.func @transform_0(%arg0: i32) -> (i32, i32) {
    %c0_i32 = arith.constant 0 : i32
    %c0_i32_0 = arith.constant 0 : i32
    return %arg0, %c0_i32 : i32, i32
  }
  func.func @transform_1(%arg0: i32) -> (i32, i32) {
    %c0_i32 = arith.constant 0 : i32
    %c0_i32_0 = arith.constant 0 : i32
    %c0_i32_1 = arith.constant 0 : i32
    return %c0_i32, %c0_i32_0 : i32, i32
  }
  func.func @transform_2(%arg0: i32) -> (i32, i32) {
    %c0_i32 = arith.constant 0 : i32
    %c0_i32_0 = arith.constant 0 : i32
    %c0_i32_1 = arith.constant 0 : i32
    return %c0_i32, %c0_i32_0 : i32, i32
  }
  func.func @transform_3(%arg0: i32) -> (i32, i32) {
    %c0_i32 = arith.constant 0 : i32
    %c0_i32_0 = arith.constant 0 : i32
    return %arg0, %c0_i32 : i32, i32
  }
}

</mosaic_0001>

<sc_bundles>
// kernel: kernel.7.cloned.1.call-start
scs
__scs_entry_jumppad:
0x0: {  	(pc) =	sbr.rel $0x88, $3  }
0x1: {  	(tag) =	ssettag $0x0;
	lr =	simm.s32 $0x1  }
0x2: {  	[smem:$0x3F97] =	sst lr;
	_ =	strace $0xD0000000  }
0x3: {  	_ = 	snop  }
0x4: {  	_ = 	snop  }
0x5: {  	_ = 	snop  }
0x6: {  	_ = 	snop  }
0x7: {  	_ = 	snop  }
__scs_overlays_trampoline_lowered:
0x8: {  	[smem:$0x3FA6] =	sst s0  }
0x9: {  	[smem:$0x3FA7] =	sst s1  }
0xa: {  	[smem:$0x3FA8] =	sst s2  }
0xb: {  	[smem:$0x3FA9] =	sst s3  }
0xc: {  	[smem:$0x3FAA] =	sst s4  }
0xd: {  	[smem:$0x3FAB] =	sst s5  }
0xe: {  	[smem:$0x3FAC] =	sst s6  }
0xf: {  	[smem:$0x3FAD] =	sst s7  }
0x10: {  	[smem:$0x3FAE] =	sst s8  }
0x11: {  	[smem:$0x3FAF] =	sst s9;
	s0 =	simm.s32 @!p0 $0x0  }
0x12: {  	s1 =	sld [smem:$0x3F95];
	s0 =	simm.s32 @p0 $0x1  }
0x13: {  	[smem:$0x3FB0] =	sst s0;
	s0 =	simm.s32 @!p1 $0x0  }
0x14: {  	s2 =	sld [smem:$0x3F94];
	s0 =	simm.s32 @p1 $0x1  }
0x15: {  	[smem:$0x3FB1] =	sst s0;
	s0 =	simm.s32 @!p2 $0x0  }
0x16: {  	s3 =	sld [smem:$0x3FDB];
	s0 =	simm.s32 @p2 $0x1  }
0x17: {  	s4 =	simm.s32 $0x1BF5;
	[smem:$0x3FB3] =	sst s0  }
0x18: {  	s0 =	sld [smem:$0x3F96];
	_ =	swait.ge [sflag:s4], $0x0  }
0x19: {  	s7 =	sld [smem:$0x3F97]  }
0x1a: {  	s8 =	sadd.s32 $0xFFFFE003, lr  }
0x1b: {  	s9 =	sadd.s32 $0xFFFFFEF7, lr;
	s5 =	simm.s32 $0xFFFFFFFF;
	p2 =	slt.u32 s8, $0xFFFFF086  }
0x1c: {  	p1 =	slt.u32 s9, $0xF7A;
	s5 =	simm.s32 @!p2 $0x0  }
0x1d: {  	s5 =	simm.s32 @p1 $0x1;
	p0 =	seq.s32 s7, s2  }
0x1e: {  	s7 =	smul.u32 @!p0 $0xF7A, s2;
	p2 =	seq.s32 @!p0 s5, $0x0  }
0x1f: {  	s9 =	smul.u32 $0xF7A, s1;
	s8 =	simm.s32 @!p0 $0x1BF5;
	p2 =	por !p2, p0  }
0x20: {  	[sflag:s8] =	ssyncset.s32 @!p0 $0xFFFFF086;
	s6 =	sadd.s32 @!p0 s3, s7;
	s7 =	simm.s32 @!p0 $0x108  }
0x21: {  	s3 =	sadd.s32 s3, s9;
	s6 =	sadd.s32 @!p0 $0x88, s6;
	s7 =	simm.s32 @p2 $0x1082  }
0x22: {  	[simem:s7], [sflag:s8] =	dma.local @!p0 [hbm:s6], $0xF7A  }
0x23: {  	s9 =	sor.u32 $0xD0000000, s2;
	s6 =	simm.s32 $0x108;
	_ =	swait.ge @!p0 [sflag:s8], $0x0  }
0x24: {  	s3 =	sadd.s32 $0x88, s3;
	s6 =	simm.s32 @!p1 $0x1082;
	[sflag:s4] =	ssyncset.s32 $0xFFFFF086  }
0x25: {  	[simem:s6], [sflag:s4] =	dma.local [hbm:s3], $0xF7A  }
0x26: {  	[smem:$0x3F97] =	sst s1;
	(tag) =	ssettag s2;
	_ =	strace s9  }
0x27: {  	s1 =	sld [smem:$0x3FA7]  }
0x28: {  	s2 =	sld [smem:$0x3FA8]  }
0x29: {  	s4 =	sld [smem:$0x3FAA]  }
0x2a: {  	p0 =	seq.s32 s5, $0x0;
	s5 =	sld [smem:$0x3FAB]  }
0x2b: {  	s6 =	sld [smem:$0x3FAC]  }
0x2c: {  	s7 =	sld [smem:$0x3FAD]  }
0x2d: {  	s3 =	simm.s32 $0x108;
	s8 =	sld [smem:$0x3FAE]  }
0x2e: {  	s3 =	simm.s32 @!p0 $0x1082;
	s9 =	sld [smem:$0x3FAF]  }
0x2f: {  	lr =	sadd.s32 s0, s3;
	s0 =	sld [smem:$0x3FA6]  }
0x30: {  	s3 =	sld [smem:$0x3FA9]  }
0x31: {  	[smem:$0x3FB2] =	sst s10  }
0x32: {  	s10 =	sld [smem:$0x3FB0];
	_ =	sdelay $0x3  }
0x33: {  	p0 =	seq.s32 s10, $0x1;
	s10 =	sld [smem:$0x3FB2];
	_ =	sdelay $0x3  }
0x34: {  	[smem:$0x3FB2] =	sst s10  }
0x35: {  	s10 =	sld [smem:$0x3FB1];
	_ =	sdelay $0x3  }
0x36: {  	p1 =	seq.s32 s10, $0x1;
	s10 =	sld [smem:$0x3FB2];
	_ =	sdelay $0x3  }
0x37: {  	[smem:$0x3FB2] =	sst s10  }
0x38: {  	s10 =	sld [smem:$0x3FB3]  }
0x39: {  	_ = 	snop;
	(pc) =	sbr.ind lr, $3  }
0x3a: {  	_ = 	snop  }
0x3b: {  	_ = 	snop  }
0x3c: {  	p2 =	seq.s32 s10, $0x1;
	s10 =	sld [smem:$0x3FB2]  }
0x3d: {  	_ =	shalt  }
0x3e: {  	_ =	shalt  }
0x3f: {  	_ =	shalt  }
0x40: {  	_ =	shalt  }
0x41: {  	_ =	shalt  }
0x42: {  	_ =	shalt  }
0x43: {  	_ =	shalt  }
0x44: {  	_ =	shalt  }
0x45: {  	_ =	shalt  }
0x46: {  	_ =	shalt  }
0x47: {  	_ =	shalt  }
0x48: {  	_ =	shalt  }
0x49: {  	_ =	shalt  }
0x4a: {  	_ =	shalt  }
0x4b: {  	_ =	shalt  }
0x4c: {  	_ =	shalt  }
0x4d: {  	_ =	shalt  }
0x4e: {  	_ =	shalt  }
0x4f: {  	_ =	shalt  }
0x50: {  	_ =	shalt  }
0x51: {  	_ =	shalt  }
0x52: {  	_ =	shalt  }
0x53: {  	_ =	shalt  }
0x54: {  	_ =	shalt  }
0x55: {  	_ =	shalt  }
0x56: {  	_ =	shalt  }
0x57: {  	_ =	shalt  }
0x58: {  	_ =	shalt  }
0x59: {  	_ =	shalt  }
0x5a: {  	_ =	shalt  }
0x5b: {  	_ =	shalt  }
0x5c: {  	_ =	shalt  }
0x5d: {  	_ =	shalt  }
0x5e: {  	_ =	shalt  }
0x5f: {  	_ =	shalt  }
0x60: {  	_ =	shalt  }
0x61: {  	_ =	shalt  }
0x62: {  	_ =	shalt  }
0x63: {  	_ =	shalt  }
0x64: {  	_ =	shalt  }
0x65: {  	_ =	shalt  }
0x66: {  	_ =	shalt  }
0x67: {  	_ =	shalt  }
0x68: {  	_ =	shalt  }
0x69: {  	_ =	shalt  }
0x6a: {  	_ =	shalt  }
0x6b: {  	_ =	shalt  }
0x6c: {  	_ =	shalt  }
0x6d: {  	_ =	shalt  }
0x6e: {  	_ =	shalt  }
0x6f: {  	_ =	shalt  }
0x70: {  	_ =	shalt  }
0x71: {  	_ =	shalt  }
0x72: {  	_ =	shalt  }
0x73: {  	_ =	shalt  }
0x74: {  	_ =	shalt  }
0x75: {  	_ =	shalt  }
0x76: {  	_ =	shalt  }
0x77: {  	_ =	shalt  }
0x78: {  	_ =	shalt  }
0x79: {  	_ =	shalt  }
0x7a: {  	_ =	shalt  }
0x7b: {  	_ =	shalt  }
0x7c: {  	_ =	shalt  }
0x7d: {  	_ =	shalt  }
0x7e: {  	_ =	shalt  }
0x7f: {  	_ =	shalt  }
0x80: {  	_ =	shalt  }
0x81: {  	_ =	shalt  }
0x82: {  	_ =	shalt  }
0x83: {  	_ =	shalt  }
0x84: {  	_ =	shalt  }
0x85: {  	_ =	shalt  }
0x86: {  	_ =	shalt  }
0x87: {  	_ =	shalt  }
.Lfunc_end0:
.L_simem_size_0:
called_computation_lowered:
.L_overlay_start_0:
0x88: {  	s2 =	sld [smem:$0x3FD9]  }
0x89: {  	s3 =	sld [smem:$0x3FFE];
	_ =	sdelay $0x1  }
0x8a: {  	s1 =	srdreg.scid  }
0x8b: {  	s0 =	sand.u32 $0x1, s1  }
0x8c: {  	s18 =	sshll.u32 s0, $0xA;
	s2 =	sadd.s32 s3, s2  }
0x8d: {  	s2 =	sadd.s32 s2, s18  }
0x8e: {  	[smem:$0x3FBE] =	sst s2  }
0x8f: {  	_ = 	snop  }
0x90: {  	s2 =	sld [smem:$0x3FC8]  }
0x91: {  	s19 =	sld [smem:$0x3FD0];
	(tm) =	ssettm $0x1  }
0x92: {  	s4 =	sld [smem:$0x3FFB];
	_ =	sdelay $0x3  }
0x93: {  	_ =	strace s4  }
0x94: {  	s4 =	sld [smem:$0x3FFC];
	_ =	sdelay $0x3  }
0x95: {  	_ =	strace s4  }
0x96: {  	s4 =	sld [smem:$0x3FFD];
	_ =	sdelay $0x3  }
0x97: {  	_ =	strace s4  }
0x98: {  	_ =	strace $0x8FFFFFFF  }
0x99: {  	s20 =	sld [smem:$0x3FDB];
	_ =	sdelay $0x1  }
0x9a: {  	s5 =	simm.s32 $_scs_section_size  }
0x9b: {  	s6 =	simm.s32 $_size__tile_overlayer_lowered;
	s7 =	simm.s32 $_tile_overlayer_lowered  }
0x9c: {  	s23 =	simm.s32 $0x1BFF;
	s22 =	sshll.u32 s7, $0x1;
	s4 =	sadd.s32 s5, s20  }
0x9d: {  	s8 =	simm.s32 $0x0;
	s21 =	sshll.u32 s6, $0x1;
	s6 =	sadd.s32 s22, s4  }
0x9e: {  	[timem:s8], [sflag:s23] =	dma.local [hbm:s6], s21  }
0x9f: {  	_ =	swait.ge [sflag:s23], s21  }
0xa0: {  	s5 =	ssub.s32 $0x0, s21;
	[sflag:s23] =	ssyncset.done $0x0  }
0xa1: {  	[sflag:s23] =	ssyncadd.s32 s5;
	_ =	sdelay $0x1  }
0xa2: {  	s24 =	simm.s32 $0x1B8B  }
0xa3: {  	_ =	swait.ge [sflag:s24], $0x1  }
0xa4: {  	[sflag:s24] =	ssyncset.done $0x0  }
0xa5: {  	s25 =	simm.s32 $0x1B8E;
	[sflag:s24] =	ssyncadd.s32 $0xFFFFFFFF  }
0xa6: {  	s26 =	simm.s32 $execute0_lowered;
	[smem:$0x3FD2] =	sst s25  }
0xa7: {  	s5 =	sshll.u32 s26, $0x1;
	_ =	strace $0x80000046;
	[dreg:$0x1] =	wrdreg $0xFFFFFFFF  }
0xa8: {  	s28 =	simm.s32 $_size_execute0_lowered;
	s4 =	sadd.s32 s4, s5;
	[dreg:$0x0] =	wrdreg $0x0  }
0xa9: {  	s5 =	sshll.u32 s28, $0x1;
	[dreg:$0x2] =	wrdreg s4  }
0xaa: {  	[dreg:$0x3] =	wrdreg s5  }
0xab: {  	[dreg:$0x4] =	wrdreg $0xC0  }
0xac: {  	_ =	task [dreg:s8], $0x5FFFF  }
0xad: {  	[dreg:$0x1] =	wrdreg $0xFFFFFFFF  }
0xae: {  	[dreg:$0x0] =	wrdreg $0x60  }
0xaf: {  	[dreg:$0x2] =	wrdreg s2  }
0xb0: {  	[dreg:$0x3] =	wrdreg s19  }
0xb1: {  	[dreg:$0x4] =	wrdreg $0x9  }
0xb2: {  	_ =	task.clear_ibuf [dreg:s8], $0x5FFFF;
	_ =	strace $0x90000046  }
0xb3: {  	s29 =	simm.s32 $0x9;
	_ =	strace $0x80000048  }
0xb4: {  	_ =	swait.ge [sflag:s29], $0x1  }
0xb5: {  	[sflag:s29] =	ssyncadd.s32 $0xFFFFFFFF  }
0xb6: {  	_ =	strace $0x90000048  }
0xb7: {  	_ =	sfence  }
0xb8: {  	s30 =	sld [smem:$0x0];
	_ =	sdelay $0x2  }
0xb9: {  	s31 =	sshll.u32 s1, $0xD;
	s1 =	sshrl.u32 s1, $0x2  }
0xba: {  	s3 =	sand.u32 $0x4000, s31;
	s1 =	sadd.s32 s1, s30  }
0xbb: {  	s0 =	sor.u32 s3, s0;
	s1 =	sshll.u32 s1, $0x11  }
0xbc: {  	s0 =	sor.u32 s1, s0  }
0xbd: {  	s0 =	sadd.s32 $0x8F2B, s0  }
0xbe: {  	[sflag:s0] =	ssyncadd.remote.s32 $0x1  }
0xbf: {  	_ =	sfence.sel $0xFFFF  }
0xc0: {  	[dreg:$0x0] =	wrdreg $0xFFFFFFFF;
	(pc) =	sbr.abs _section_cstart, $3  }
0xc1: {  	[dreg:$0x1] =	wrdreg $0xFFFFFFFF  }
0xc2: {  	_ =	task.clear_ibuf [dreg:s8], $0x2FFFF;
	_ =	strace $0x9FFFFFFF  }
0xc3: {  	(tm) =	ssettm $0x7FFFFFFF  }
tec
execute0_lowered:
.L_overlay_start_1:
0x0: {  	(tag) =	ssettag $0x1  }
0x1: {  	s2 =	rddreg [dreg:$0x0]  }
0x2: {  	s6 =	rddreg [dreg:$0x1]  }
0x3: {  	s0 =	rddreg [dreg:$0x2]  }
0x4: {  	s4 =	srdreg.scid;
	s1 =	stileid.u32  }
0x5: {  	s3 =	simm.s32 $0x0;
	s10 =	simm.s32 $0x4000;
	s11 =	simm.s32 $0x1  }
0x6: {  	s13 =	simm.s32 $0x2;
	s14 =	simm.s32 $0x0;
	s4 =	sand.u32 $0x1, s4  }
0x7: {  	s5 =	sshll.u32 s1, $0x1;
	[smem:$0x7FF] =	sst s3;
	s7 =	ssub.s32 $0x2, s4  }
0x8: {  	s4 =	sor.u32 s4, s5;
	_ =	strace $0x80000047;
	s30 =	sshrl.u32 s7, $0x1  }
0x9: {  	s9 =	sshll.u32 s4, $0x6;
	s31 =	sshll.u32 s4, $0xE;
	s4 =	sadd.s32 $0x10, s2  }
0xa: {  	s7 =	ssub.s32 s7, s30;
	s12 =	sor.u32 $0x20, s9;
	s5 =	sadd.s32 s6, s31  }
0xb: {  	v0 =	vmov s9;
	s9 =	simm.s32 $0x100;
	s8 =	sshll.u32 s12, $0x8;
	s7 =	smax.u32 s7, $0x1  }
0xc: {  	v2 =	vimm.f32 $0.0e+00;
	v3 =	vimm.f32 $1.000000000e+00;
	v1 =	vmov s12;
	s12 =	simm.s32 $0x8000;
	s6 =	sadd.s32 s6, s8;
	s8 =	simm.s32 $0x80  }
.LBB2_1:
0xd: {  	[tilespmem:s3], [sflag:$0x1] =	stream.strided.gather [hbm4b:s4+s8], $0x4000, s9, s8, $0x38;
	[tilespmem:$0x18000] =	vst v63  }
0xe: {  	s15 =	simm.s32 $0x0  }
0xf: {  	s15 =	sand.u32 $0x3FFFFF80, s15  }
0x10: {  	[tilespmem:s10], [sflag:$0x1] =	stream.strided.gather [hbm4b:s2+s8], $0x4000, s9, s8, $0x38;
	[tilespmem:$0x18000] =	vst v63  }
0x11: {  	[tilespmem:s15+$0x143F0] =	vst v2  }
0x12: {  	[tilespmem:s15+$0x8000] =	vst v2  }
0x13: {  	[tilespmem:s15+$0x8080] =	vst v2  }
0x14: {  	[tilespmem:s15+$0x8100] =	vst v2  }
0x15: {  	[tilespmem:s15+$0x8180] =	vst v2  }
0x16: {  	[tilespmem:s15+$0x8200] =	vst v2  }
0x17: {  	[tilespmem:s15+$0x8280] =	vst v2  }
0x18: {  	[tilespmem:s15+$0x8300] =	vst v2  }
0x19: {  	[tilespmem:s15+$0x8380] =	vst v2  }
0x1a: {  	[tilespmem:s15+$0xC000] =	vst v2  }
0x1b: {  	[tilespmem:s15+$0xC080] =	vst v2  }
0x1c: {  	[tilespmem:s15+$0xC100] =	vst v2  }
0x1d: {  	[tilespmem:s15+$0xC180] =	vst v2  }
0x1e: {  	[tilespmem:s15+$0xC200] =	vst v2  }
0x1f: {  	[tilespmem:s15+$0xC280] =	vst v2  }
0x20: {  	[tilespmem:s15+$0xC300] =	vst v2  }
0x21: {  	[tilespmem:s15+$0xC380] =	vst v2  }
0x22: {  	[tilespmem:s15+$0x10000] =	vst v2  }
0x23: {  	[tilespmem:s15+$0x10080] =	vst v2  }
0x24: {  	[tilespmem:s15+$0x10100] =	vst v2  }
0x25: {  	[tilespmem:s15+$0x10180] =	vst v2  }
0x26: {  	[tilespmem:s15+$0x10200] =	vst v2  }
0x27: {  	[tilespmem:s15+$0x10280] =	vst v2  }
0x28: {  	[tilespmem:s15+$0x10300] =	vst v2  }
0x29: {  	[tilespmem:s15+$0x10380] =	vst v2  }
0x2a: {  	[tilespmem:s15+$0x14000] =	vst v2  }
0x2b: {  	[tilespmem:s15+$0x14080] =	vst v2  }
0x2c: {  	[tilespmem:s15+$0x14100] =	vst v2  }
0x2d: {  	[tilespmem:s15+$0x14180] =	vst v2  }
0x2e: {  	[tilespmem:s15+$0x14200] =	vst v2  }
0x2f: {  	[tilespmem:s15+$0x14280] =	vst v2  }
0x30: {  	[tilespmem:s15+$0x14300] =	vst v2  }
0x31: {  	[tilespmem:s15+$0x14380] =	vst v2  }
0x32: {  	[tilespmem:s15+$0x8010] =	vst v2  }
0x33: {  	[tilespmem:s15+$0x8090] =	vst v2  }
0x34: {  	[tilespmem:s15+$0x8110] =	vst v2  }
0x35: {  	[tilespmem:s15+$0x8190] =	vst v2  }
0x36: {  	[tilespmem:s15+$0x8210] =	vst v2  }
0x37: {  	[tilespmem:s15+$0x8290] =	vst v2  }
0x38: {  	[tilespmem:s15+$0x8310] =	vst v2  }
0x39: {  	[tilespmem:s15+$0x8390] =	vst v2  }
0x3a: {  	[tilespmem:s15+$0xC010] =	vst v2  }
0x3b: {  	[tilespmem:s15+$0xC090] =	vst v2  }
0x3c: {  	[tilespmem:s15+$0xC110] =	vst v2  }
0x3d: {  	[tilespmem:s15+$0xC190] =	vst v2  }
0x3e: {  	[tilespmem:s15+$0xC210] =	vst v2  }
0x3f: {  	[tilespmem:s15+$0xC290] =	vst v2  }
0x40: {  	[tilespmem:s15+$0xC310] =	vst v2  }
0x41: {  	[tilespmem:s15+$0xC390] =	vst v2  }
0x42: {  	[tilespmem:s15+$0x10010] =	vst v2  }
0x43: {  	[tilespmem:s15+$0x10090] =	vst v2  }
0x44: {  	[tilespmem:s15+$0x10110] =	vst v2  }
0x45: {  	[tilespmem:s15+$0x10190] =	vst v2  }
0x46: {  	[tilespmem:s15+$0x10210] =	vst v2  }
0x47: {  	[tilespmem:s15+$0x10290] =	vst v2  }
0x48: {  	[tilespmem:s15+$0x10310] =	vst v2  }
0x49: {  	[tilespmem:s15+$0x10390] =	vst v2  }
0x4a: {  	[tilespmem:s15+$0x14010] =	vst v2  }
0x4b: {  	[tilespmem:s15+$0x14090] =	vst v2  }
0x4c: {  	[tilespmem:s15+$0x14110] =	vst v2  }
0x4d: {  	[tilespmem:s15+$0x14190] =	vst v2  }
0x4e: {  	[tilespmem:s15+$0x14210] =	vst v2  }
0x4f: {  	[tilespmem:s15+$0x14290] =	vst v2  }
0x50: {  	[tilespmem:s15+$0x14310] =	vst v2  }
0x51: {  	[tilespmem:s15+$0x14390] =	vst v2  }
0x52: {  	[tilespmem:s15+$0x8020] =	vst v2  }
0x53: {  	[tilespmem:s15+$0x80A0] =	vst v2  }
0x54: {  	[tilespmem:s15+$0x8120] =	vst v2  }
0x55: {  	[tilespmem:s15+$0x81A0] =	vst v2  }
0x56: {  	[tilespmem:s15+$0x8220] =	vst v2  }
0x57: {  	[tilespmem:s15+$0x82A0] =	vst v2  }
0x58: {  	[tilespmem:s15+$0x8320] =	vst v2  }
0x59: {  	[tilespmem:s15+$0x83A0] =	vst v2  }
0x5a: {  	[tilespmem:s15+$0xC020] =	vst v2  }
0x5b: {  	[tilespmem:s15+$0xC0A0] =	vst v2  }
0x5c: {  	[tilespmem:s15+$0xC120] =	vst v2  }
0x5d: {  	[tilespmem:s15+$0xC1A0] =	vst v2  }
0x5e: {  	[tilespmem:s15+$0xC220] =	vst v2  }
0x5f: {  	[tilespmem:s15+$0xC2A0] =	vst v2  }
0x60: {  	[tilespmem:s15+$0xC320] =	vst v2  }
0x61: {  	[tilespmem:s15+$0xC3A0] =	vst v2  }
0x62: {  	[tilespmem:s15+$0x10020] =	vst v2  }
0x63: {  	[tilespmem:s15+$0x100A0] =	vst v2  }
0x64: {  	[tilespmem:s15+$0x10120] =	vst v2  }
0x65: {  	[tilespmem:s15+$0x101A0] =	vst v2  }
0x66: {  	[tilespmem:s15+$0x10220] =	vst v2  }
0x67: {  	[tilespmem:s15+$0x102A0] =	vst v2  }
0x68: {  	[tilespmem:s15+$0x10320] =	vst v2  }
0x69: {  	[tilespmem:s15+$0x103A0] =	vst v2  }
0x6a: {  	[tilespmem:s15+$0x14020] =	vst v2  }
0x6b: {  	[tilespmem:s15+$0x140A0] =	vst v2  }
0x6c: {  	[tilespmem:s15+$0x14120] =	vst v2  }
0x6d: {  	[tilespmem:s15+$0x141A0] =	vst v2  }
0x6e: {  	[tilespmem:s15+$0x14220] =	vst v2  }
0x6f: {  	[tilespmem:s15+$0x142A0] =	vst v2  }
0x70: {  	[tilespmem:s15+$0x14320] =	vst v2  }
0x71: {  	[tilespmem:s15+$0x143A0] =	vst v2  }
0x72: {  	[tilespmem:s15+$0x8030] =	vst v2  }
0x73: {  	[tilespmem:s15+$0x80B0] =	vst v2  }
0x74: {  	[tilespmem:s15+$0x8130] =	vst v2  }
0x75: {  	[tilespmem:s15+$0x81B0] =	vst v2  }
0x76: {  	[tilespmem:s15+$0x8230] =	vst v2  }
0x77: {  	[tilespmem:s15+$0x82B0] =	vst v2  }
0x78: {  	[tilespmem:s15+$0x8330] =	vst v2  }
0x79: {  	[tilespmem:s15+$0x83B0] =	vst v2  }
0x7a: {  	[tilespmem:s15+$0xC030] =	vst v2  }
0x7b: {  	[tilespmem:s15+$0xC0B0] =	vst v2  }
0x7c: {  	[tilespmem:s15+$0xC130] =	vst v2  }
0x7d: {  	[tilespmem:s15+$0xC1B0] =	vst v2  }
0x7e: {  	[tilespmem:s15+$0xC230] =	vst v2  }
0x7f: {  	[tilespmem:s15+$0xC2B0] =	vst v2  }
0x80: {  	[tilespmem:s15+$0xC330] =	vst v2  }
0x81: {  	[tilespmem:s15+$0xC3B0] =	vst v2  }
0x82: {  	[tilespmem:s15+$0x10030] =	vst v2  }
0x83: {  	[tilespmem:s15+$0x100B0] =	vst v2  }
0x84: {  	[tilespmem:s15+$0x10130] =	vst v2  }
0x85: {  	[tilespmem:s15+$0x101B0] =	vst v2  }
0x86: {  	[tilespmem:s15+$0x10230] =	vst v2  }
0x87: {  	[tilespmem:s15+$0x102B0] =	vst v2  }
0x88: {  	[tilespmem:s15+$0x10330] =	vst v2  }
0x89: {  	[tilespmem:s15+$0x103B0] =	vst v2  }
0x8a: {  	[tilespmem:s15+$0x14030] =	vst v2  }
0x8b: {  	[tilespmem:s15+$0x140B0] =	vst v2  }
0x8c: {  	[tilespmem:s15+$0x14130] =	vst v2  }
0x8d: {  	[tilespmem:s15+$0x141B0] =	vst v2  }
0x8e: {  	[tilespmem:s15+$0x14230] =	vst v2  }
0x8f: {  	[tilespmem:s15+$0x142B0] =	vst v2  }
0x90: {  	[tilespmem:s15+$0x14330] =	vst v2  }
0x91: {  	[tilespmem:s15+$0x143B0] =	vst v2  }
0x92: {  	[tilespmem:s15+$0x8040] =	vst v2  }
0x93: {  	[tilespmem:s15+$0x80C0] =	vst v2  }
0x94: {  	[tilespmem:s15+$0x8140] =	vst v2  }
0x95: {  	[tilespmem:s15+$0x81C0] =	vst v2  }
0x96: {  	[tilespmem:s15+$0x8240] =	vst v2  }
0x97: {  	[tilespmem:s15+$0x82C0] =	vst v2  }
0x98: {  	[tilespmem:s15+$0x8340] =	vst v2  }
0x99: {  	[tilespmem:s15+$0x83C0] =	vst v2  }
0x9a: {  	[tilespmem:s15+$0xC040] =	vst v2  }
0x9b: {  	[tilespmem:s15+$0xC0C0] =	vst v2  }
0x9c: {  	[tilespmem:s15+$0xC140] =	vst v2  }
0x9d: {  	[tilespmem:s15+$0xC1C0] =	vst v2  }
0x9e: {  	[tilespmem:s15+$0xC240] =	vst v2  }
0x9f: {  	[tilespmem:s15+$0xC2C0] =	vst v2  }
0xa0: {  	[tilespmem:s15+$0xC340] =	vst v2  }
0xa1: {  	[tilespmem:s15+$0xC3C0] =	vst v2  }
0xa2: {  	[tilespmem:s15+$0x10040] =	vst v2  }
0xa3: {  	[tilespmem:s15+$0x100C0] =	vst v2  }
0xa4: {  	[tilespmem:s15+$0x10140] =	vst v2  }
0xa5: {  	[tilespmem:s15+$0x101C0] =	vst v2  }
0xa6: {  	[tilespmem:s15+$0x10240] =	vst v2  }
0xa7: {  	[tilespmem:s15+$0x102C0] =	vst v2  }
0xa8: {  	[tilespmem:s15+$0x10340] =	vst v2  }
0xa9: {  	[tilespmem:s15+$0x103C0] =	vst v2  }
0xaa: {  	[tilespmem:s15+$0x14040] =	vst v2  }
0xab: {  	[tilespmem:s15+$0x140C0] =	vst v2  }
0xac: {  	[tilespmem:s15+$0x14140] =	vst v2  }
0xad: {  	[tilespmem:s15+$0x141C0] =	vst v2  }
0xae: {  	[tilespmem:s15+$0x14240] =	vst v2  }
0xaf: {  	[tilespmem:s15+$0x142C0] =	vst v2  }
0xb0: {  	[tilespmem:s15+$0x14340] =	vst v2  }
0xb1: {  	[tilespmem:s15+$0x143C0] =	vst v2  }
0xb2: {  	[tilespmem:s15+$0x8050] =	vst v2  }
0xb3: {  	[tilespmem:s15+$0x80D0] =	vst v2  }
0xb4: {  	[tilespmem:s15+$0x8150] =	vst v2  }
0xb5: {  	[tilespmem:s15+$0x81D0] =	vst v2  }
0xb6: {  	[tilespmem:s15+$0x8250] =	vst v2  }
0xb7: {  	[tilespmem:s15+$0x82D0] =	vst v2  }
0xb8: {  	[tilespmem:s15+$0x8350] =	vst v2  }
0xb9: {  	[tilespmem:s15+$0x83D0] =	vst v2  }
0xba: {  	[tilespmem:s15+$0xC050] =	vst v2  }
0xbb: {  	[tilespmem:s15+$0xC0D0] =	vst v2  }
0xbc: {  	[tilespmem:s15+$0xC150] =	vst v2  }
0xbd: {  	[tilespmem:s15+$0xC1D0] =	vst v2  }
0xbe: {  	[tilespmem:s15+$0xC250] =	vst v2  }
0xbf: {  	[tilespmem:s15+$0xC2D0] =	vst v2  }
0xc0: {  	[tilespmem:s15+$0xC350] =	vst v2  }
0xc1: {  	[tilespmem:s15+$0xC3D0] =	vst v2  }
0xc2: {  	[tilespmem:s15+$0x10050] =	vst v2  }
0xc3: {  	[tilespmem:s15+$0x100D0] =	vst v2  }
0xc4: {  	[tilespmem:s15+$0x10150] =	vst v2  }
0xc5: {  	[tilespmem:s15+$0x101D0] =	vst v2  }
0xc6: {  	[tilespmem:s15+$0x10250] =	vst v2  }
0xc7: {  	[tilespmem:s15+$0x102D0] =	vst v2  }
0xc8: {  	[tilespmem:s15+$0x10350] =	vst v2  }
0xc9: {  	[tilespmem:s15+$0x103D0] =	vst v2  }
0xca: {  	[tilespmem:s15+$0x14050] =	vst v2  }
0xcb: {  	[tilespmem:s15+$0x140D0] =	vst v2  }
0xcc: {  	[tilespmem:s15+$0x14150] =	vst v2  }
0xcd: {  	[tilespmem:s15+$0x141D0] =	vst v2  }
0xce: {  	[tilespmem:s15+$0x14250] =	vst v2  }
0xcf: {  	[tilespmem:s15+$0x142D0] =	vst v2  }
0xd0: {  	[tilespmem:s15+$0x14350] =	vst v2  }
0xd1: {  	[tilespmem:s15+$0x143D0] =	vst v2  }
0xd2: {  	[tilespmem:s15+$0x8060] =	vst v2  }
0xd3: {  	[tilespmem:s15+$0x80E0] =	vst v2  }
0xd4: {  	[tilespmem:s15+$0x8160] =	vst v2  }
0xd5: {  	[tilespmem:s15+$0x81E0] =	vst v2  }
0xd6: {  	[tilespmem:s15+$0x8260] =	vst v2  }
0xd7: {  	[tilespmem:s15+$0x82E0] =	vst v2  }
0xd8: {  	[tilespmem:s15+$0x8360] =	vst v2  }
0xd9: {  	[tilespmem:s15+$0x83E0] =	vst v2  }
0xda: {  	[tilespmem:s15+$0xC060] =	vst v2  }
0xdb: {  	[tilespmem:s15+$0xC0E0] =	vst v2  }
0xdc: {  	[tilespmem:s15+$0xC160] =	vst v2  }
0xdd: {  	[tilespmem:s15+$0xC1E0] =	vst v2  }
0xde: {  	[tilespmem:s15+$0xC260] =	vst v2  }
0xdf: {  	[tilespmem:s15+$0xC2E0] =	vst v2  }
0xe0: {  	[tilespmem:s15+$0xC360] =	vst v2  }
0xe1: {  	[tilespmem:s15+$0xC3E0] =	vst v2  }
0xe2: {  	[tilespmem:s15+$0x10060] =	vst v2  }
0xe3: {  	[tilespmem:s15+$0x100E0] =	vst v2  }
0xe4: {  	[tilespmem:s15+$0x10160] =	vst v2  }
0xe5: {  	[tilespmem:s15+$0x101E0] =	vst v2  }
0xe6: {  	[tilespmem:s15+$0x10260] =	vst v2  }
0xe7: {  	[tilespmem:s15+$0x102E0] =	vst v2  }
0xe8: {  	[tilespmem:s15+$0x10360] =	vst v2  }
0xe9: {  	[tilespmem:s15+$0x103E0] =	vst v2  }
0xea: {  	[tilespmem:s15+$0x14060] =	vst v2  }
0xeb: {  	[tilespmem:s15+$0x140E0] =	vst v2  }
0xec: {  	[tilespmem:s15+$0x14160] =	vst v2  }
0xed: {  	[tilespmem:s15+$0x141E0] =	vst v2  }
0xee: {  	[tilespmem:s15+$0x14260] =	vst v2  }
0xef: {  	[tilespmem:s15+$0x142E0] =	vst v2  }
0xf0: {  	[tilespmem:s15+$0x14360] =	vst v2  }
0xf1: {  	[tilespmem:s15+$0x143E0] =	vst v2  }
0xf2: {  	[tilespmem:s15+$0x8070] =	vst v2  }
0xf3: {  	[tilespmem:s15+$0x80F0] =	vst v2  }
0xf4: {  	[tilespmem:s15+$0x8170] =	vst v2  }
0xf5: {  	[tilespmem:s15+$0x81F0] =	vst v2  }
0xf6: {  	[tilespmem:s15+$0x8270] =	vst v2  }
0xf7: {  	[tilespmem:s15+$0x82F0] =	vst v2  }
0xf8: {  	[tilespmem:s15+$0x8370] =	vst v2  }
0xf9: {  	[tilespmem:s15+$0x83F0] =	vst v2  }
0xfa: {  	[tilespmem:s15+$0xC070] =	vst v2  }
0xfb: {  	[tilespmem:s15+$0xC0F0] =	vst v2  }
0xfc: {  	[tilespmem:s15+$0xC170] =	vst v2  }
0xfd: {  	[tilespmem:s15+$0xC1F0] =	vst v2  }
0xfe: {  	[tilespmem:s15+$0xC270] =	vst v2  }
0xff: {  	[tilespmem:s15+$0xC2F0] =	vst v2  }
0x100: {  	[tilespmem:s15+$0xC370] =	vst v2  }
0x101: {  	[tilespmem:s15+$0xC3F0] =	vst v2  }
0x102: {  	[tilespmem:s15+$0x10070] =	vst v2  }
0x103: {  	[tilespmem:s15+$0x100F0] =	vst v2  }
0x104: {  	[tilespmem:s15+$0x10170] =	vst v2  }
0x105: {  	[tilespmem:s15+$0x101F0] =	vst v2  }
0x106: {  	[tilespmem:s15+$0x10270] =	vst v2  }
0x107: {  	[tilespmem:s15+$0x102F0] =	vst v2  }
0x108: {  	[tilespmem:s15+$0x10370] =	vst v2  }
0x109: {  	[tilespmem:s15+$0x103F0] =	vst v2  }
0x10a: {  	[tilespmem:s15+$0x14070] =	vst v2  }
0x10b: {  	[tilespmem:s15+$0x140F0] =	vst v2  }
0x10c: {  	[tilespmem:s15+$0x14170] =	vst v2  }
0x10d: {  	[tilespmem:s15+$0x141F0] =	vst v2  }
0x10e: {  	s16 =	simm.s32 $0x8;
	[tilespmem:s15+$0x14270] =	vst v2  }
.LBB2_2:
0x10f: {  	s17 =	sshll.u32 s16, $0x7;
	p0 =	slt.u32 s16, $0x78;
	[tilespmem:s15+$0x142F0] =	vst v2  }
0x110: {  	[tilespmem:s15+$0x14370] =	vst v2;
	s15 =	sand.u32 $0x3FFFFF80, s17  }
0x111: {  	[tilespmem:s15+$0x143F0] =	vst v2  }
0x112: {  	[tilespmem:s15+$0x8000] =	vst v2  }
0x113: {  	[tilespmem:s15+$0x8080] =	vst v2  }
0x114: {  	[tilespmem:s15+$0x8100] =	vst v2  }
0x115: {  	[tilespmem:s15+$0x8180] =	vst v2  }
0x116: {  	[tilespmem:s15+$0x8200] =	vst v2  }
0x117: {  	[tilespmem:s15+$0x8280] =	vst v2  }
0x118: {  	[tilespmem:s15+$0x8300] =	vst v2  }
0x119: {  	[tilespmem:s15+$0x8380] =	vst v2  }
0x11a: {  	[tilespmem:s15+$0xC000] =	vst v2  }
0x11b: {  	[tilespmem:s15+$0xC080] =	vst v2  }
0x11c: {  	[tilespmem:s15+$0xC100] =	vst v2  }
0x11d: {  	[tilespmem:s15+$0xC180] =	vst v2  }
0x11e: {  	[tilespmem:s15+$0xC200] =	vst v2  }
0x11f: {  	[tilespmem:s15+$0xC280] =	vst v2  }
0x120: {  	[tilespmem:s15+$0xC300] =	vst v2  }
0x121: {  	[tilespmem:s15+$0xC380] =	vst v2  }
0x122: {  	[tilespmem:s15+$0x10000] =	vst v2  }
0x123: {  	[tilespmem:s15+$0x10080] =	vst v2  }
0x124: {  	[tilespmem:s15+$0x10100] =	vst v2  }
0x125: {  	[tilespmem:s15+$0x10180] =	vst v2  }
0x126: {  	[tilespmem:s15+$0x10200] =	vst v2  }
0x127: {  	[tilespmem:s15+$0x10280] =	vst v2  }
0x128: {  	[tilespmem:s15+$0x10300] =	vst v2  }
0x129: {  	[tilespmem:s15+$0x10380] =	vst v2  }
0x12a: {  	[tilespmem:s15+$0x14000] =	vst v2  }
0x12b: {  	[tilespmem:s15+$0x14080] =	vst v2  }
0x12c: {  	[tilespmem:s15+$0x14100] =	vst v2  }
0x12d: {  	[tilespmem:s15+$0x14180] =	vst v2  }
0x12e: {  	[tilespmem:s15+$0x14200] =	vst v2  }
0x12f: {  	[tilespmem:s15+$0x14280] =	vst v2  }
0x130: {  	[tilespmem:s15+$0x14300] =	vst v2  }
0x131: {  	[tilespmem:s15+$0x14380] =	vst v2  }
0x132: {  	[tilespmem:s15+$0x8010] =	vst v2  }
0x133: {  	[tilespmem:s15+$0x8090] =	vst v2  }
0x134: {  	[tilespmem:s15+$0x8110] =	vst v2  }
0x135: {  	[tilespmem:s15+$0x8190] =	vst v2  }
0x136: {  	[tilespmem:s15+$0x8210] =	vst v2  }
0x137: {  	[tilespmem:s15+$0x8290] =	vst v2  }
0x138: {  	[tilespmem:s15+$0x8310] =	vst v2  }
0x139: {  	[tilespmem:s15+$0x8390] =	vst v2  }
0x13a: {  	[tilespmem:s15+$0xC010] =	vst v2  }
0x13b: {  	[tilespmem:s15+$0xC090] =	vst v2  }
0x13c: {  	[tilespmem:s15+$0xC110] =	vst v2  }
0x13d: {  	[tilespmem:s15+$0xC190] =	vst v2  }
0x13e: {  	[tilespmem:s15+$0xC210] =	vst v2  }
0x13f: {  	[tilespmem:s15+$0xC290] =	vst v2  }
0x140: {  	[tilespmem:s15+$0xC310] =	vst v2  }
0x141: {  	[tilespmem:s15+$0xC390] =	vst v2  }
0x142: {  	[tilespmem:s15+$0x10010] =	vst v2  }
0x143: {  	[tilespmem:s15+$0x10090] =	vst v2  }
0x144: {  	[tilespmem:s15+$0x10110] =	vst v2  }
0x145: {  	[tilespmem:s15+$0x10190] =	vst v2  }
0x146: {  	[tilespmem:s15+$0x10210] =	vst v2  }
0x147: {  	[tilespmem:s15+$0x10290] =	vst v2  }
0x148: {  	[tilespmem:s15+$0x10310] =	vst v2  }
0x149: {  	[tilespmem:s15+$0x10390] =	vst v2  }
0x14a: {  	[tilespmem:s15+$0x14010] =	vst v2  }
0x14b: {  	[tilespmem:s15+$0x14090] =	vst v2  }
0x14c: {  	[tilespmem:s15+$0x14110] =	vst v2  }
0x14d: {  	[tilespmem:s15+$0x14190] =	vst v2  }
0x14e: {  	[tilespmem:s15+$0x14210] =	vst v2  }
0x14f: {  	[tilespmem:s15+$0x14290] =	vst v2  }
0x150: {  	[tilespmem:s15+$0x14310] =	vst v2  }
0x151: {  	[tilespmem:s15+$0x14390] =	vst v2  }
0x152: {  	[tilespmem:s15+$0x8020] =	vst v2  }
0x153: {  	[tilespmem:s15+$0x80A0] =	vst v2  }
0x154: {  	[tilespmem:s15+$0x8120] =	vst v2  }
0x155: {  	[tilespmem:s15+$0x81A0] =	vst v2  }
0x156: {  	[tilespmem:s15+$0x8220] =	vst v2  }
0x157: {  	[tilespmem:s15+$0x82A0] =	vst v2  }
0x158: {  	[tilespmem:s15+$0x8320] =	vst v2  }
0x159: {  	[tilespmem:s15+$0x83A0] =	vst v2  }
0x15a: {  	[tilespmem:s15+$0xC020] =	vst v2  }
0x15b: {  	[tilespmem:s15+$0xC0A0] =	vst v2  }
0x15c: {  	[tilespmem:s15+$0xC120] =	vst v2  }
0x15d: {  	[tilespmem:s15+$0xC1A0] =	vst v2  }
0x15e: {  	[tilespmem:s15+$0xC220] =	vst v2  }
0x15f: {  	[tilespmem:s15+$0xC2A0] =	vst v2  }
0x160: {  	[tilespmem:s15+$0xC320] =	vst v2  }
0x161: {  	[tilespmem:s15+$0xC3A0] =	vst v2  }
0x162: {  	[tilespmem:s15+$0x10020] =	vst v2  }
0x163: {  	[tilespmem:s15+$0x100A0] =	vst v2  }
0x164: {  	[tilespmem:s15+$0x10120] =	vst v2  }
0x165: {  	[tilespmem:s15+$0x101A0] =	vst v2  }
0x166: {  	[tilespmem:s15+$0x10220] =	vst v2  }
0x167: {  	[tilespmem:s15+$0x102A0] =	vst v2  }
0x168: {  	[tilespmem:s15+$0x10320] =	vst v2  }
0x169: {  	[tilespmem:s15+$0x103A0] =	vst v2  }
0x16a: {  	[tilespmem:s15+$0x14020] =	vst v2  }
0x16b: {  	[tilespmem:s15+$0x140A0] =	vst v2  }
0x16c: {  	[tilespmem:s15+$0x14120] =	vst v2  }
0x16d: {  	[tilespmem:s15+$0x141A0] =	vst v2  }
0x16e: {  	[tilespmem:s15+$0x14220] =	vst v2  }
0x16f: {  	[tilespmem:s15+$0x142A0] =	vst v2  }
0x170: {  	[tilespmem:s15+$0x14320] =	vst v2  }
0x171: {  	[tilespmem:s15+$0x143A0] =	vst v2  }
0x172: {  	[tilespmem:s15+$0x8030] =	vst v2  }
0x173: {  	[tilespmem:s15+$0x80B0] =	vst v2  }
0x174: {  	[tilespmem:s15+$0x8130] =	vst v2  }
0x175: {  	[tilespmem:s15+$0x81B0] =	vst v2  }
0x176: {  	[tilespmem:s15+$0x8230] =	vst v2  }
0x177: {  	[tilespmem:s15+$0x82B0] =	vst v2  }
0x178: {  	[tilespmem:s15+$0x8330] =	vst v2  }
0x179: {  	[tilespmem:s15+$0x83B0] =	vst v2  }
0x17a: {  	[tilespmem:s15+$0xC030] =	vst v2  }
0x17b: {  	[tilespmem:s15+$0xC0B0] =	vst v2  }
0x17c: {  	[tilespmem:s15+$0xC130] =	vst v2  }
0x17d: {  	[tilespmem:s15+$0xC1B0] =	vst v2  }
0x17e: {  	[tilespmem:s15+$0xC230] =	vst v2  }
0x17f: {  	[tilespmem:s15+$0xC2B0] =	vst v2  }
0x180: {  	[tilespmem:s15+$0xC330] =	vst v2  }
0x181: {  	[tilespmem:s15+$0xC3B0] =	vst v2  }
0x182: {  	[tilespmem:s15+$0x10030] =	vst v2  }
0x183: {  	[tilespmem:s15+$0x100B0] =	vst v2  }
0x184: {  	[tilespmem:s15+$0x10130] =	vst v2  }
0x185: {  	[tilespmem:s15+$0x101B0] =	vst v2  }
0x186: {  	[tilespmem:s15+$0x10230] =	vst v2  }
0x187: {  	[tilespmem:s15+$0x102B0] =	vst v2  }
0x188: {  	[tilespmem:s15+$0x10330] =	vst v2  }
0x189: {  	[tilespmem:s15+$0x103B0] =	vst v2  }
0x18a: {  	[tilespmem:s15+$0x14030] =	vst v2  }
0x18b: {  	[tilespmem:s15+$0x140B0] =	vst v2  }
0x18c: {  	[tilespmem:s15+$0x14130] =	vst v2  }
0x18d: {  	[tilespmem:s15+$0x141B0] =	vst v2  }
0x18e: {  	[tilespmem:s15+$0x14230] =	vst v2  }
0x18f: {  	[tilespmem:s15+$0x142B0] =	vst v2  }
0x190: {  	[tilespmem:s15+$0x14330] =	vst v2  }
0x191: {  	[tilespmem:s15+$0x143B0] =	vst v2  }
0x192: {  	[tilespmem:s15+$0x8040] =	vst v2  }
0x193: {  	[tilespmem:s15+$0x80C0] =	vst v2  }
0x194: {  	[tilespmem:s15+$0x8140] =	vst v2  }
0x195: {  	[tilespmem:s15+$0x81C0] =	vst v2  }
0x196: {  	[tilespmem:s15+$0x8240] =	vst v2  }
0x197: {  	[tilespmem:s15+$0x82C0] =	vst v2  }
0x198: {  	[tilespmem:s15+$0x8340] =	vst v2  }
0x199: {  	[tilespmem:s15+$0x83C0] =	vst v2  }
0x19a: {  	[tilespmem:s15+$0xC040] =	vst v2  }
0x19b: {  	[tilespmem:s15+$0xC0C0] =	vst v2  }
0x19c: {  	[tilespmem:s15+$0xC140] =	vst v2  }
0x19d: {  	[tilespmem:s15+$0xC1C0] =	vst v2  }
0x19e: {  	[tilespmem:s15+$0xC240] =	vst v2  }
0x19f: {  	[tilespmem:s15+$0xC2C0] =	vst v2  }
0x1a0: {  	[tilespmem:s15+$0xC340] =	vst v2  }
0x1a1: {  	[tilespmem:s15+$0xC3C0] =	vst v2  }
0x1a2: {  	[tilespmem:s15+$0x10040] =	vst v2  }
0x1a3: {  	[tilespmem:s15+$0x100C0] =	vst v2  }
0x1a4: {  	[tilespmem:s15+$0x10140] =	vst v2  }
0x1a5: {  	[tilespmem:s15+$0x101C0] =	vst v2  }
0x1a6: {  	[tilespmem:s15+$0x10240] =	vst v2  }
0x1a7: {  	[tilespmem:s15+$0x102C0] =	vst v2  }
0x1a8: {  	[tilespmem:s15+$0x10340] =	vst v2  }
0x1a9: {  	[tilespmem:s15+$0x103C0] =	vst v2  }
0x1aa: {  	[tilespmem:s15+$0x14040] =	vst v2  }
0x1ab: {  	[tilespmem:s15+$0x140C0] =	vst v2  }
0x1ac: {  	[tilespmem:s15+$0x14140] =	vst v2  }
0x1ad: {  	[tilespmem:s15+$0x141C0] =	vst v2  }
0x1ae: {  	[tilespmem:s15+$0x14240] =	vst v2  }
0x1af: {  	[tilespmem:s15+$0x142C0] =	vst v2  }
0x1b0: {  	[tilespmem:s15+$0x14340] =	vst v2  }
0x1b1: {  	[tilespmem:s15+$0x143C0] =	vst v2  }
0x1b2: {  	[tilespmem:s15+$0x8050] =	vst v2  }
0x1b3: {  	[tilespmem:s15+$0x80D0] =	vst v2  }
0x1b4: {  	[tilespmem:s15+$0x8150] =	vst v2  }
0x1b5: {  	[tilespmem:s15+$0x81D0] =	vst v2  }
0x1b6: {  	[tilespmem:s15+$0x8250] =	vst v2  }
0x1b7: {  	[tilespmem:s15+$0x82D0] =	vst v2  }
0x1b8: {  	[tilespmem:s15+$0x8350] =	vst v2  }
0x1b9: {  	[tilespmem:s15+$0x83D0] =	vst v2  }
0x1ba: {  	[tilespmem:s15+$0xC050] =	vst v2  }
0x1bb: {  	[tilespmem:s15+$0xC0D0] =	vst v2  }
0x1bc: {  	[tilespmem:s15+$0xC150] =	vst v2  }
0x1bd: {  	[tilespmem:s15+$0xC1D0] =	vst v2  }
0x1be: {  	[tilespmem:s15+$0xC250] =	vst v2  }
0x1bf: {  	[tilespmem:s15+$0xC2D0] =	vst v2  }
0x1c0: {  	[tilespmem:s15+$0xC350] =	vst v2  }
0x1c1: {  	[tilespmem:s15+$0xC3D0] =	vst v2  }
0x1c2: {  	[tilespmem:s15+$0x10050] =	vst v2  }
0x1c3: {  	[tilespmem:s15+$0x100D0] =	vst v2  }
0x1c4: {  	[tilespmem:s15+$0x10150] =	vst v2  }
0x1c5: {  	[tilespmem:s15+$0x101D0] =	vst v2  }
0x1c6: {  	[tilespmem:s15+$0x10250] =	vst v2  }
0x1c7: {  	[tilespmem:s15+$0x102D0] =	vst v2  }
0x1c8: {  	[tilespmem:s15+$0x10350] =	vst v2  }
0x1c9: {  	[tilespmem:s15+$0x103D0] =	vst v2  }
0x1ca: {  	[tilespmem:s15+$0x14050] =	vst v2  }
0x1cb: {  	[tilespmem:s15+$0x140D0] =	vst v2  }
0x1cc: {  	[tilespmem:s15+$0x14150] =	vst v2  }
0x1cd: {  	[tilespmem:s15+$0x141D0] =	vst v2  }
0x1ce: {  	[tilespmem:s15+$0x14250] =	vst v2  }
0x1cf: {  	[tilespmem:s15+$0x142D0] =	vst v2  }
0x1d0: {  	[tilespmem:s15+$0x14350] =	vst v2  }
0x1d1: {  	[tilespmem:s15+$0x143D0] =	vst v2  }
0x1d2: {  	[tilespmem:s15+$0x8060] =	vst v2  }
0x1d3: {  	[tilespmem:s15+$0x80E0] =	vst v2  }
0x1d4: {  	[tilespmem:s15+$0x8160] =	vst v2  }
0x1d5: {  	[tilespmem:s15+$0x81E0] =	vst v2  }
0x1d6: {  	[tilespmem:s15+$0x8260] =	vst v2  }
0x1d7: {  	[tilespmem:s15+$0x82E0] =	vst v2  }
0x1d8: {  	[tilespmem:s15+$0x8360] =	vst v2  }
0x1d9: {  	[tilespmem:s15+$0x83E0] =	vst v2  }
0x1da: {  	[tilespmem:s15+$0xC060] =	vst v2  }
0x1db: {  	[tilespmem:s15+$0xC0E0] =	vst v2  }
0x1dc: {  	[tilespmem:s15+$0xC160] =	vst v2  }
0x1dd: {  	[tilespmem:s15+$0xC1E0] =	vst v2  }
0x1de: {  	[tilespmem:s15+$0xC260] =	vst v2  }
0x1df: {  	[tilespmem:s15+$0xC2E0] =	vst v2  }
0x1e0: {  	[tilespmem:s15+$0xC360] =	vst v2  }
0x1e1: {  	[tilespmem:s15+$0xC3E0] =	vst v2  }
0x1e2: {  	[tilespmem:s15+$0x10060] =	vst v2  }
0x1e3: {  	[tilespmem:s15+$0x100E0] =	vst v2  }
0x1e4: {  	[tilespmem:s15+$0x10160] =	vst v2  }
0x1e5: {  	[tilespmem:s15+$0x101E0] =	vst v2  }
0x1e6: {  	[tilespmem:s15+$0x10260] =	vst v2  }
0x1e7: {  	[tilespmem:s15+$0x102E0] =	vst v2  }
0x1e8: {  	[tilespmem:s15+$0x10360] =	vst v2  }
0x1e9: {  	[tilespmem:s15+$0x103E0] =	vst v2  }
0x1ea: {  	[tilespmem:s15+$0x14060] =	vst v2  }
0x1eb: {  	[tilespmem:s15+$0x140E0] =	vst v2  }
0x1ec: {  	[tilespmem:s15+$0x14160] =	vst v2  }
0x1ed: {  	[tilespmem:s15+$0x141E0] =	vst v2  }
0x1ee: {  	[tilespmem:s15+$0x14260] =	vst v2  }
0x1ef: {  	[tilespmem:s15+$0x142E0] =	vst v2  }
0x1f0: {  	[tilespmem:s15+$0x14360] =	vst v2  }
0x1f1: {  	[tilespmem:s15+$0x143E0] =	vst v2  }
0x1f2: {  	[tilespmem:s15+$0x8070] =	vst v2  }
0x1f3: {  	[tilespmem:s15+$0x80F0] =	vst v2  }
0x1f4: {  	[tilespmem:s15+$0x8170] =	vst v2  }
0x1f5: {  	[tilespmem:s15+$0x81F0] =	vst v2  }
0x1f6: {  	[tilespmem:s15+$0x8270] =	vst v2  }
0x1f7: {  	[tilespmem:s15+$0x82F0] =	vst v2  }
0x1f8: {  	[tilespmem:s15+$0x8370] =	vst v2  }
0x1f9: {  	[tilespmem:s15+$0x83F0] =	vst v2  }
0x1fa: {  	[tilespmem:s15+$0xC070] =	vst v2  }
0x1fb: {  	[tilespmem:s15+$0xC0F0] =	vst v2  }
0x1fc: {  	[tilespmem:s15+$0xC170] =	vst v2  }
0x1fd: {  	[tilespmem:s15+$0xC1F0] =	vst v2  }
0x1fe: {  	[tilespmem:s15+$0xC270] =	vst v2  }
0x1ff: {  	[tilespmem:s15+$0xC2F0] =	vst v2  }
0x200: {  	[tilespmem:s15+$0xC370] =	vst v2  }
0x201: {  	[tilespmem:s15+$0xC3F0] =	vst v2  }
0x202: {  	[tilespmem:s15+$0x10070] =	vst v2  }
0x203: {  	[tilespmem:s15+$0x100F0] =	vst v2  }
0x204: {  	[tilespmem:s15+$0x10170] =	vst v2  }
0x205: {  	[tilespmem:s15+$0x101F0] =	vst v2  }
0x206: {  	[tilespmem:s15+$0x10270] =	vst v2  }
0x207: {  	[tilespmem:s15+$0x102F0] =	vst v2  }
0x208: {  	[tilespmem:s15+$0x10370] =	vst v2  }
0x209: {  	[tilespmem:s15+$0x103F0] =	vst v2  }
.Ltmp0:
0x20a: {  	[tilespmem:s15+$0x14070] =	vst v2;
	(pc) =	sbr.rel @p0 .LBB2_2-.Ltmp0, $4  }
0x20b: {  	[tilespmem:s15+$0x140F0] =	vst v2  }
0x20c: {  	[tilespmem:s15+$0x14170] =	vst v2  }
0x20d: {  	[tilespmem:s15+$0x141F0] =	vst v2  }
0x20e: {  	s16 =	sadd.s32 $0x8, s16;
	[tilespmem:s15+$0x14270] =	vst v2  }
0x20f: {  	[tilespmem:s15+$0x142F0] =	vst v2  }
0x210: {  	[tilespmem:s15+$0x14370] =	vst v2  }
0x211: {  	_ =	swait.ge [sflag:s11], $0x4000  }
0x212: {  	[sflag:s11] =	ssyncset.done $0x0  }
0x213: {  	[sflag:s11] =	ssyncadd.s32 $0xFFFFC000  }
0x214: {  	_ =	swait.ge [sflag:s11], $0x4000  }
0x215: {  	[sflag:s11] =	ssyncset.done $0x0  }
0x216: {  	s16 =	simm.s32 $0x40;
	[sflag:s11] =	ssyncadd.s32 $0xFFFFC000  }
0x217: {  	v4 =	vld [tilespmem:s16+$0x30]  }
0x218: {  	s15 =	simm.s32 $0x4040;
	v5 =	vld [tilespmem:s16+$0xFFFFFFD0]  }
0x219: {  	v6 =	vld [tilespmem:s15+$0x30]  }
0x21a: {  	v8 =	vld [tilespmem:s16+$0xFFFFFFF0]  }
0x21b: {  	v21 =	vld [tilespmem:s15+$0xFFFFFFC0]  }
0x21c: {  	v22 =	vld [tilespmem:s15+$0xFFFFFFD0]  }
0x21d: {  	v23 =	vld [tilespmem:s15+$0xFFFFFFE0]  }
0x21e: {  	v25 =	vld [tilespmem:s15+$0xFFFFFFF0];
	_ =	sdelay $0x1  }
0x21f: {  	v9 =	vld [tilespmem:s16+$0x0]  }
0x220: {  	v11 =	vld [tilespmem:s16+$0x10];
	v10 =	vsub.s32 v4, v0;
	v4 =	vsub.s32 v5, v0;
	v15 =	vshll.u32 v6, $0x3  }
0x221: {  	v8 =	vsub.s32 v8, v0;
	v32 =	vshll.u32 v21, $0x3;
	v33 =	vshll.u32 v22, $0x3  }
0x222: {  	v7 =	vld [tilespmem:s16+$0xFFFFFFE0];
	v35 =	vshll.u32 v23, $0x3;
	v36 =	vshll.u32 v25, $0x3;
	v21 =	vand.u32 $0x7F, v21  }
0x223: {  	v23 =	vand.u32 $0x7F, v23;
	v5 =	vmin.u32 v10, $0x1F;
	v14 =	vmin.u32 v4, $0x1F  }
0x224: {  	v15 =	vand.u32 $0xFFFFFC00, v15;
	vm0 =	vlt.u32 v10, $0x20;
	v10 =	vand.u32 $0x7F, v6  }
0x225: {  	v6 =	vsub.s32 v9, v0;
	v9 =	vsub.s32 v11, v0;
	v32 =	vand.u32 $0xFFFFFC00, v32  }
0x226: {  	v33 =	vand.u32 $0xFFFFFC00, v33;
	v35 =	vand.u32 $0xFFFFFC00, v35;
	v36 =	vand.u32 $0xFFFFFC00, v36  }
0x227: {  	v13 =	vshll.u32 v5, $0xB;
	v17 =	vshll.u32 v5, $0x7;
	v5 =	vsub.s32 v7, v0  }
0x228: {  	v19 =	vmin.u32 v9, $0x1F;
	v27 =	vshll.u32 v14, $0xB;
	v14 =	vshll.u32 v14, $0x7  }
0x229: {  	v12 =	vld [tilespmem:s16+$0x20];
	v13 =	vand.u32 $0xC000, v13;
	v31 =	vshll.u32 v19, $0xB;
	v27 =	vand.u32 $0xC000, v27  }
0x22a: {  	v16 =	vld [tilespmem:s16+$0xFFFFFFC0];
	v19 =	vshll.u32 v19, $0x7;
	v14 =	vand.u32 $0x380, v14;
	v7 =	vadd.s32 v15, v13  }
0x22b: {  	v11 =	vld [tilespmem:s15+$0x0];
	v13 =	vand.u32 $0x380, v17;
	v15 =	vmin.u32 v5, $0x1F;
	v17 =	vmin.u32 v6, $0x1F  }
0x22c: {  	v27 =	vadd.s32 v33, v27;
	v31 =	vand.u32 $0xC000, v31;
	v63 =	vand.u32 $0x380, v19  }
0x22d: {  	v7 =	vor.u32 v13, v7;
	v28 =	vshll.u32 v15, $0xB;
	v30 =	vshll.u32 v17, $0xB  }
0x22e: {  	v15 =	vshll.u32 v15, $0x7;
	v17 =	vshll.u32 v17, $0x7;
	v24 =	vor.u32 v10, v7  }
0x22f: {  	v7 =	vsub.s32 v12, v0;
	v10 =	vsub.s32 v16, v0;
	v16 =	vmin.u32 v8, $0x1F  }
0x230: {  	v37 =	vshll.u32 v11, $0x3;
	v28 =	vand.u32 $0xC000, v28;
	v30 =	vand.u32 $0xC000, v30  }
0x231: {  	v15 =	vand.u32 $0x380, v15;
	v62 =	vand.u32 $0x380, v17;
	v18 =	vmin.u32 v10, $0x1F  }
0x232: {  	v13 =	vld [tilespmem:s15+$0x20];
	v20 =	vmin.u32 v7, $0x1F;
	v29 =	vshll.u32 v16, $0xB;
	v16 =	vshll.u32 v16, $0x7  }
0x233: {  	v12 =	vld [tilespmem:s15+$0x10];
	v37 =	vand.u32 $0xFFFFFC00, v37;
	v28 =	vadd.s32 v35, v28;
	v26 =	vshll.u32 v18, $0xB  }
0x234: {  	v34 =	vshll.u32 v20, $0xB;
	v29 =	vand.u32 $0xC000, v29;
	v18 =	vshll.u32 v18, $0x7  }
0x235: {  	v20 =	vshll.u32 v20, $0x7;
	v30 =	vadd.s32 v37, v30;
	v16 =	vand.u32 $0x380, v16  }
0x236: {  	v26 =	vand.u32 $0xC000, v26;
	v34 =	vand.u32 $0xC000, v34;
	v29 =	vadd.s32 v36, v29  }
0x237: {  	v18 =	vand.u32 $0x380, v18;
	v26 =	vadd.s32 v32, v26;
	v60 =	vshll.u32 v13, $0x3  }
0x238: {  	v17 =	vor.u32 v16, v29;
	v59 =	vshll.u32 v12, $0x3;
	v33 =	vand.u32 $0xFFFFFC00, v60  }
0x239: {  	v19 =	vor.u32 v18, v26;
	v18 =	vor.u32 v14, v27;
	v14 =	vand.u32 $0x380, v20  }
0x23a: {  	v20 =	vor.u32 v15, v28;
	v15 =	vor.u32 v62, v30;
	v32 =	vand.u32 $0xFFFFFC00, v59  }
0x23b: {  	[tilespmem:v24+s12+$0x0] =	vst.idx.add.f32.msk vm0, v3;
	v24 =	vand.u32 $0x7F, v22;
	v61 =	vadd.s32 v33, v34;
	v31 =	vadd.s32 v32, v31  }
0x23c: {  	s17 =	simm.s32 $0xC0;
	s16 =	simm.s32 $0x0;
	v22 =	vand.u32 $0x7F, v25;
	v14 =	vor.u32 v14, v61;
	v16 =	vor.u32 v63, v31  }
.LBB2_4:
0x23d: {  	v25 =	vld [tilespmem:s17+$0x30];
	s16 =	sadd.s32 $0x8, s16;
	v11 =	vand.u32 $0x7F, v11;
	v12 =	vand.u32 $0x7F, v12;
	v13 =	vand.u32 $0x7F, v13  }
0x23e: {  	v19 =	vor.u32 v21, v19;
	v18 =	vor.u32 v24, v18;
	v20 =	vor.u32 v23, v20;
	s15 =	sadd.s32 $0x80, s15;
	v26 =	vld [tilespmem:s17+$0xFFFFFFD0];
	p0 =	slt.u32 s16, $0x3F8  }
0x23f: {  	v17 =	vor.u32 v22, v17;
	v15 =	vor.u32 v11, v15;
	v16 =	vor.u32 v12, v16;
	v21 =	vld [tilespmem:s15+$0x30]  }
0x240: {  	vm6 =	vlt.u32 v10, $0x20;
	vm5 =	vlt.u32 v4, $0x20;
	v14 =	vor.u32 v13, v14;
	v11 =	vld [tilespmem:s17+$0xFFFFFFE0]  }
0x241: {  	vm4 =	vlt.u32 v5, $0x20;
	vm3 =	vlt.u32 v8, $0x20;
	vm2 =	vlt.u32 v6, $0x20;
	v10 =	vld [tilespmem:s17+$0xFFFFFFF0]  }
0x242: {  	vm1 =	vlt.u32 v9, $0x20;
	vm0 =	vlt.u32 v7, $0x20;
	v6 =	vld [tilespmem:s17+$0x0];
	v8 =	vsub.s32 v25, v0  }
0x243: {  	v4 =	vsub.s32 v26, v0;
	v7 =	vld [tilespmem:s17+$0x10];
	v5 =	vmin.u32 v8, $0x1F  }
0x244: {  	v22 =	vmin.u32 v4, $0x1F;
	v12 =	vld [tilespmem:s17+$0x20];
	v9 =	vshll.u32 v5, $0xB;
	v13 =	vshll.u32 v21, $0x3  }
0x245: {  	v24 =	vshll.u32 v5, $0x7;
	v23 =	vld [tilespmem:s17+$0xFFFFFFC0];
	v9 =	vand.u32 $0xC000, v9;
	v13 =	vand.u32 $0xFFFFFC00, v13  }
0x246: {  	v5 =	vsub.s32 v11, v0;
	v11 =	vand.u32 $0x380, v24;
	v25 =	vld [tilespmem:s15+$0xFFFFFFC0];
	v9 =	vadd.s32 v13, v9  }
0x247: {  	vm7 =	vlt.u32 v8, $0x20;
	v13 =	vand.u32 $0x7F, v21;
	v24 =	vld [tilespmem:s15+$0xFFFFFFD0];
	v9 =	vor.u32 v11, v9  }
0x248: {  	v8 =	vsub.s32 v10, v0;
	v6 =	vsub.s32 v6, v0;
	v26 =	vld [tilespmem:s15+$0xFFFFFFE0];
	v21 =	vor.u32 v13, v9  }
0x249: {  	v27 =	vmin.u32 v5, $0x1F;
	v9 =	vsub.s32 v7, v0;
	v28 =	vld [tilespmem:s15+$0xFFFFFFF0];
	v7 =	vsub.s32 v12, v0  }
0x24a: {  	v29 =	vmin.u32 v6, $0x1F;
	v10 =	vsub.s32 v23, v0;
	v23 =	vmin.u32 v8, $0x1F;
	v11 =	vld [tilespmem:s15+$0x0]  }
0x24b: {  	v31 =	vmin.u32 v9, $0x1F;
	v32 =	vmin.u32 v7, $0x1F;
	v30 =	vmin.u32 v10, $0x1F;
	v12 =	vld [tilespmem:s15+$0x10]  }
0x24c: {  	v34 =	vshll.u32 v22, $0xB;
	v35 =	vshll.u32 v27, $0xB;
	v33 =	vshll.u32 v30, $0xB;
	v13 =	vld [tilespmem:s15+$0x20]  }
0x24d: {  	v37 =	vshll.u32 v29, $0xB;
	v38 =	vshll.u32 v31, $0xB;
	v36 =	vshll.u32 v23, $0xB;
	[tilespmem:v21+s12+$0x0] =	vst.idx.add.f32.msk vm7, v3  }
0x24e: {  	v40 =	vshll.u32 v32, $0xB;
	v39 =	vshll.u32 v24, $0x3;
	v21 =	vshll.u32 v25, $0x3;
	[tilespmem:v19+s12+$0x0] =	vst.idx.add.f32.msk vm6, v3  }
0x24f: {  	v19 =	vshll.u32 v26, $0x3;
	v41 =	vshll.u32 v28, $0x3;
	v42 =	vshll.u32 v11, $0x3;
	[tilespmem:v18+s12+$0x0] =	vst.idx.add.f32.msk vm5, v3  }
0x250: {  	v18 =	vand.u32 $0xC000, v33;
	v33 =	vand.u32 $0xC000, v34;
	v34 =	vshll.u32 v12, $0x3;
	[tilespmem:v20+s12+$0x0] =	vst.idx.add.f32.msk vm4, v3  }
0x251: {  	v20 =	vand.u32 $0xC000, v35;
	v35 =	vand.u32 $0xC000, v36;
	v36 =	vshll.u32 v13, $0x3;
	[tilespmem:v17+s12+$0x0] =	vst.idx.add.f32.msk vm3, v3  }
0x252: {  	v17 =	vand.u32 $0xC000, v37;
	v37 =	vand.u32 $0xC000, v38;
	v38 =	vand.u32 $0xC000, v40;
	[tilespmem:v15+s12+$0x0] =	vst.idx.add.f32.msk vm2, v3  }
0x253: {  	v22 =	vshll.u32 v22, $0x7;
	v27 =	vshll.u32 v27, $0x7;
	v15 =	vshll.u32 v30, $0x7;
	[tilespmem:v16+s12+$0x0] =	vst.idx.add.f32.msk vm1, v3  }
0x254: {  	v16 =	vshll.u32 v23, $0x7;
	v23 =	vshll.u32 v29, $0x7;
	v29 =	vshll.u32 v31, $0x7;
	[tilespmem:v14+s12+$0x0] =	vst.idx.add.f32.msk vm0, v3  }
0x255: {  	v30 =	vshll.u32 v32, $0x7;
	v14 =	vand.u32 $0xFFFFFC00, v21;
	v21 =	vand.u32 $0xFFFFFC00, v39  }
0x256: {  	v19 =	vand.u32 $0xFFFFFC00, v19;
	v32 =	vand.u32 $0xFFFFFC00, v42;
	v31 =	vand.u32 $0xFFFFFC00, v41  }
0x257: {  	v14 =	vadd.s32 v14, v18;
	v18 =	vand.u32 $0xFFFFFC00, v34;
	v34 =	vand.u32 $0xFFFFFC00, v36  }
0x258: {  	v20 =	vadd.s32 v19, v20;
	v31 =	vadd.s32 v31, v35;
	v21 =	vadd.s32 v21, v33  }
0x259: {  	v32 =	vadd.s32 v32, v17;
	v33 =	vadd.s32 v18, v37;
	v34 =	vadd.s32 v34, v38  }
0x25a: {  	v15 =	vand.u32 $0x380, v15;
	v17 =	vand.u32 $0x380, v22;
	v22 =	vand.u32 $0x380, v27  }
.Ltmp1:
0x25b: {  	v16 =	vand.u32 $0x380, v16;
	v23 =	vand.u32 $0x380, v23;
	v27 =	vand.u32 $0x380, v29;
	(pc) =	sbr.rel @p0 .LBB2_4-.Ltmp1, $4  }
0x25c: {  	v19 =	vor.u32 v15, v14;
	v18 =	vor.u32 v17, v21;
	v14 =	vand.u32 $0x380, v30  }
0x25d: {  	v20 =	vor.u32 v22, v20;
	v17 =	vor.u32 v16, v31;
	v15 =	vor.u32 v23, v32  }
0x25e: {  	v21 =	vand.u32 $0x7F, v25;
	v16 =	vor.u32 v27, v33;
	v14 =	vor.u32 v14, v34  }
0x25f: {  	s17 =	sadd.s32 $0x80, s17;
	v24 =	vand.u32 $0x7F, v24;
	v22 =	vand.u32 $0x7F, v28;
	v23 =	vand.u32 $0x7F, v26  }
0x260: {  	vm0 =	vlt.u32 v10, $0x20  }
0x261: {  	v58 =	vor.u32 v21, v19;
	vm1 =	vlt.u32 v4, $0x20  }
0x262: {  	v4 =	vor.u32 v24, v18;
	vm2 =	vlt.u32 v5, $0x20  }
0x263: {  	v5 =	vor.u32 v23, v20;
	vm3 =	vlt.u32 v8, $0x20  }
0x264: {  	v59 =	vand.u32 $0x7F, v11;
	v60 =	vor.u32 v22, v17;
	vm4 =	vlt.u32 v6, $0x20  }
0x265: {  	v61 =	vand.u32 $0x7F, v12;
	vm5 =	vlt.u32 v9, $0x20;
	v8 =	vor.u32 v59, v15  }
0x266: {  	v62 =	vand.u32 $0x7F, v13;
	vm6 =	vlt.u32 v7, $0x20;
	v6 =	vor.u32 v61, v16;
	[tilespmem:v58+s12+$0x0] =	vst.idx.add.f32.msk vm0, v3  }
0x267: {  	v63 =	vor.u32 v62, v14;
	[tilespmem:v4+s12+$0x0] =	vst.idx.add.f32.msk vm1, v3  }
0x268: {  	[tilespmem:v5+s12+$0x0] =	vst.idx.add.f32.msk vm2, v3  }
0x269: {  	[tilespmem:v60+s12+$0x0] =	vst.idx.add.f32.msk vm3, v3  }
0x26a: {  	[tilespmem:v8+s12+$0x0] =	vst.idx.add.f32.msk vm4, v3  }
0x26b: {  	[tilespmem:v6+s12+$0x0] =	vst.idx.add.f32.msk vm5, v3  }
0x26c: {  	s15 =	simm.s32 $0x0;
	[tilespmem:v63+s12+$0x0] =	vst.idx.add.f32.msk vm6, v3  }
0x26d: {  	[hbm4b:s5+s15] =	stream.linear.scatter [tilespmem:s12], [sflag:$0x2], $0x10000, $0x38;
	[tilespmem:$0x18000] =	vst v63  }
0x26e: {  	_ =	swait.ge [sflag:s13], $0x10000  }
0x26f: {  	s31 =	simm.s32 $0x0;
	[sflag:s13] =	ssyncset.done $0x0  }
0x270: {  	s16 =	sand.u32 $0x3FFFFF80, s31;
	[sflag:s13] =	ssyncadd.s32 $0xFFFF0000  }
0x271: {  	[tilespmem:s16+$0x143F0] =	vst v2  }
0x272: {  	[tilespmem:s16+$0x8000] =	vst v2  }
0x273: {  	[tilespmem:s16+$0x8080] =	vst v2  }
0x274: {  	[tilespmem:s16+$0x8100] =	vst v2  }
0x275: {  	[tilespmem:s16+$0x8180] =	vst v2  }
0x276: {  	[tilespmem:s16+$0x8200] =	vst v2  }
0x277: {  	[tilespmem:s16+$0x8280] =	vst v2  }
0x278: {  	[tilespmem:s16+$0x8300] =	vst v2  }
0x279: {  	[tilespmem:s16+$0x8380] =	vst v2  }
0x27a: {  	[tilespmem:s16+$0xC000] =	vst v2  }
0x27b: {  	[tilespmem:s16+$0xC080] =	vst v2  }
0x27c: {  	[tilespmem:s16+$0xC100] =	vst v2  }
0x27d: {  	[tilespmem:s16+$0xC180] =	vst v2  }
0x27e: {  	[tilespmem:s16+$0xC200] =	vst v2  }
0x27f: {  	[tilespmem:s16+$0xC280] =	vst v2  }
0x280: {  	[tilespmem:s16+$0xC300] =	vst v2  }
0x281: {  	[tilespmem:s16+$0xC380] =	vst v2  }
0x282: {  	[tilespmem:s16+$0x10000] =	vst v2  }
0x283: {  	[tilespmem:s16+$0x10080] =	vst v2  }
0x284: {  	[tilespmem:s16+$0x10100] =	vst v2  }
0x285: {  	[tilespmem:s16+$0x10180] =	vst v2  }
0x286: {  	[tilespmem:s16+$0x10200] =	vst v2  }
0x287: {  	[tilespmem:s16+$0x10280] =	vst v2  }
0x288: {  	[tilespmem:s16+$0x10300] =	vst v2  }
0x289: {  	[tilespmem:s16+$0x10380] =	vst v2  }
0x28a: {  	[tilespmem:s16+$0x14000] =	vst v2  }
0x28b: {  	[tilespmem:s16+$0x14080] =	vst v2  }
0x28c: {  	[tilespmem:s16+$0x14100] =	vst v2  }
0x28d: {  	[tilespmem:s16+$0x14180] =	vst v2  }
0x28e: {  	[tilespmem:s16+$0x14200] =	vst v2  }
0x28f: {  	[tilespmem:s16+$0x14280] =	vst v2  }
0x290: {  	[tilespmem:s16+$0x14300] =	vst v2  }
0x291: {  	[tilespmem:s16+$0x14380] =	vst v2  }
0x292: {  	[tilespmem:s16+$0x8010] =	vst v2  }
0x293: {  	[tilespmem:s16+$0x8090] =	vst v2  }
0x294: {  	[tilespmem:s16+$0x8110] =	vst v2  }
0x295: {  	[tilespmem:s16+$0x8190] =	vst v2  }
0x296: {  	[tilespmem:s16+$0x8210] =	vst v2  }
0x297: {  	[tilespmem:s16+$0x8290] =	vst v2  }
0x298: {  	[tilespmem:s16+$0x8310] =	vst v2  }
0x299: {  	[tilespmem:s16+$0x8390] =	vst v2  }
0x29a: {  	[tilespmem:s16+$0xC010] =	vst v2  }
0x29b: {  	[tilespmem:s16+$0xC090] =	vst v2  }
0x29c: {  	[tilespmem:s16+$0xC110] =	vst v2  }
0x29d: {  	[tilespmem:s16+$0xC190] =	vst v2  }
0x29e: {  	[tilespmem:s16+$0xC210] =	vst v2  }
0x29f: {  	[tilespmem:s16+$0xC290] =	vst v2  }
0x2a0: {  	[tilespmem:s16+$0xC310] =	vst v2  }
0x2a1: {  	[tilespmem:s16+$0xC390] =	vst v2  }
0x2a2: {  	[tilespmem:s16+$0x10010] =	vst v2  }
0x2a3: {  	[tilespmem:s16+$0x10090] =	vst v2  }
0x2a4: {  	[tilespmem:s16+$0x10110] =	vst v2  }
0x2a5: {  	[tilespmem:s16+$0x10190] =	vst v2  }
0x2a6: {  	[tilespmem:s16+$0x10210] =	vst v2  }
0x2a7: {  	[tilespmem:s16+$0x10290] =	vst v2  }
0x2a8: {  	[tilespmem:s16+$0x10310] =	vst v2  }
0x2a9: {  	[tilespmem:s16+$0x10390] =	vst v2  }
0x2aa: {  	[tilespmem:s16+$0x14010] =	vst v2  }
0x2ab: {  	[tilespmem:s16+$0x14090] =	vst v2  }
0x2ac: {  	[tilespmem:s16+$0x14110] =	vst v2  }
0x2ad: {  	[tilespmem:s16+$0x14190] =	vst v2  }
0x2ae: {  	[tilespmem:s16+$0x14210] =	vst v2  }
0x2af: {  	[tilespmem:s16+$0x14290] =	vst v2  }
0x2b0: {  	[tilespmem:s16+$0x14310] =	vst v2  }
0x2b1: {  	[tilespmem:s16+$0x14390] =	vst v2  }
0x2b2: {  	[tilespmem:s16+$0x8020] =	vst v2  }
0x2b3: {  	[tilespmem:s16+$0x80A0] =	vst v2  }
0x2b4: {  	[tilespmem:s16+$0x8120] =	vst v2  }
0x2b5: {  	[tilespmem:s16+$0x81A0] =	vst v2  }
0x2b6: {  	[tilespmem:s16+$0x8220] =	vst v2  }
0x2b7: {  	[tilespmem:s16+$0x82A0] =	vst v2  }
0x2b8: {  	[tilespmem:s16+$0x8320] =	vst v2  }
0x2b9: {  	[tilespmem:s16+$0x83A0] =	vst v2  }
0x2ba: {  	[tilespmem:s16+$0xC020] =	vst v2  }
0x2bb: {  	[tilespmem:s16+$0xC0A0] =	vst v2  }
0x2bc: {  	[tilespmem:s16+$0xC120] =	vst v2  }
0x2bd: {  	[tilespmem:s16+$0xC1A0] =	vst v2  }
0x2be: {  	[tilespmem:s16+$0xC220] =	vst v2  }
0x2bf: {  	[tilespmem:s16+$0xC2A0] =	vst v2  }
0x2c0: {  	[tilespmem:s16+$0xC320] =	vst v2  }
0x2c1: {  	[tilespmem:s16+$0xC3A0] =	vst v2  }
0x2c2: {  	[tilespmem:s16+$0x10020] =	vst v2  }
0x2c3: {  	[tilespmem:s16+$0x100A0] =	vst v2  }
0x2c4: {  	[tilespmem:s16+$0x10120] =	vst v2  }
0x2c5: {  	[tilespmem:s16+$0x101A0] =	vst v2  }
0x2c6: {  	[tilespmem:s16+$0x10220] =	vst v2  }
0x2c7: {  	[tilespmem:s16+$0x102A0] =	vst v2  }
0x2c8: {  	[tilespmem:s16+$0x10320] =	vst v2  }
0x2c9: {  	[tilespmem:s16+$0x103A0] =	vst v2  }
0x2ca: {  	[tilespmem:s16+$0x14020] =	vst v2  }
0x2cb: {  	[tilespmem:s16+$0x140A0] =	vst v2  }
0x2cc: {  	[tilespmem:s16+$0x14120] =	vst v2  }
0x2cd: {  	[tilespmem:s16+$0x141A0] =	vst v2  }
0x2ce: {  	[tilespmem:s16+$0x14220] =	vst v2  }
0x2cf: {  	[tilespmem:s16+$0x142A0] =	vst v2  }
0x2d0: {  	[tilespmem:s16+$0x14320] =	vst v2  }
0x2d1: {  	[tilespmem:s16+$0x143A0] =	vst v2  }
0x2d2: {  	[tilespmem:s16+$0x8030] =	vst v2  }
0x2d3: {  	[tilespmem:s16+$0x80B0] =	vst v2  }
0x2d4: {  	[tilespmem:s16+$0x8130] =	vst v2  }
0x2d5: {  	[tilespmem:s16+$0x81B0] =	vst v2  }
0x2d6: {  	[tilespmem:s16+$0x8230] =	vst v2  }
0x2d7: {  	[tilespmem:s16+$0x82B0] =	vst v2  }
0x2d8: {  	[tilespmem:s16+$0x8330] =	vst v2  }
0x2d9: {  	[tilespmem:s16+$0x83B0] =	vst v2  }
0x2da: {  	[tilespmem:s16+$0xC030] =	vst v2  }
0x2db: {  	[tilespmem:s16+$0xC0B0] =	vst v2  }
0x2dc: {  	[tilespmem:s16+$0xC130] =	vst v2  }
0x2dd: {  	[tilespmem:s16+$0xC1B0] =	vst v2  }
0x2de: {  	[tilespmem:s16+$0xC230] =	vst v2  }
0x2df: {  	[tilespmem:s16+$0xC2B0] =	vst v2  }
0x2e0: {  	[tilespmem:s16+$0xC330] =	vst v2  }
0x2e1: {  	[tilespmem:s16+$0xC3B0] =	vst v2  }
0x2e2: {  	[tilespmem:s16+$0x10030] =	vst v2  }
0x2e3: {  	[tilespmem:s16+$0x100B0] =	vst v2  }
0x2e4: {  	[tilespmem:s16+$0x10130] =	vst v2  }
0x2e5: {  	[tilespmem:s16+$0x101B0] =	vst v2  }
0x2e6: {  	[tilespmem:s16+$0x10230] =	vst v2  }
0x2e7: {  	[tilespmem:s16+$0x102B0] =	vst v2  }
0x2e8: {  	[tilespmem:s16+$0x10330] =	vst v2  }
0x2e9: {  	[tilespmem:s16+$0x103B0] =	vst v2  }
0x2ea: {  	[tilespmem:s16+$0x14030] =	vst v2  }
0x2eb: {  	[tilespmem:s16+$0x140B0] =	vst v2  }
0x2ec: {  	[tilespmem:s16+$0x14130] =	vst v2  }
0x2ed: {  	[tilespmem:s16+$0x141B0] =	vst v2  }
0x2ee: {  	[tilespmem:s16+$0x14230] =	vst v2  }
0x2ef: {  	[tilespmem:s16+$0x142B0] =	vst v2  }
0x2f0: {  	[tilespmem:s16+$0x14330] =	vst v2  }
0x2f1: {  	[tilespmem:s16+$0x143B0] =	vst v2  }
0x2f2: {  	[tilespmem:s16+$0x8040] =	vst v2  }
0x2f3: {  	[tilespmem:s16+$0x80C0] =	vst v2  }
0x2f4: {  	[tilespmem:s16+$0x8140] =	vst v2  }
0x2f5: {  	[tilespmem:s16+$0x81C0] =	vst v2  }
0x2f6: {  	[tilespmem:s16+$0x8240] =	vst v2  }
0x2f7: {  	[tilespmem:s16+$0x82C0] =	vst v2  }
0x2f8: {  	[tilespmem:s16+$0x8340] =	vst v2  }
0x2f9: {  	[tilespmem:s16+$0x83C0] =	vst v2  }
0x2fa: {  	[tilespmem:s16+$0xC040] =	vst v2  }
0x2fb: {  	[tilespmem:s16+$0xC0C0] =	vst v2  }
0x2fc: {  	[tilespmem:s16+$0xC140] =	vst v2  }
0x2fd: {  	[tilespmem:s16+$0xC1C0] =	vst v2  }
0x2fe: {  	[tilespmem:s16+$0xC240] =	vst v2  }
0x2ff: {  	[tilespmem:s16+$0xC2C0] =	vst v2  }
0x300: {  	[tilespmem:s16+$0xC340] =	vst v2  }
0x301: {  	[tilespmem:s16+$0xC3C0] =	vst v2  }
0x302: {  	[tilespmem:s16+$0x10040] =	vst v2  }
0x303: {  	[tilespmem:s16+$0x100C0] =	vst v2  }
0x304: {  	[tilespmem:s16+$0x10140] =	vst v2  }
0x305: {  	[tilespmem:s16+$0x101C0] =	vst v2  }
0x306: {  	[tilespmem:s16+$0x10240] =	vst v2  }
0x307: {  	[tilespmem:s16+$0x102C0] =	vst v2  }
0x308: {  	[tilespmem:s16+$0x10340] =	vst v2  }
0x309: {  	[tilespmem:s16+$0x103C0] =	vst v2  }
0x30a: {  	[tilespmem:s16+$0x14040] =	vst v2  }
0x30b: {  	[tilespmem:s16+$0x140C0] =	vst v2  }
0x30c: {  	[tilespmem:s16+$0x14140] =	vst v2  }
0x30d: {  	[tilespmem:s16+$0x141C0] =	vst v2  }
0x30e: {  	[tilespmem:s16+$0x14240] =	vst v2  }
0x30f: {  	[tilespmem:s16+$0x142C0] =	vst v2  }
0x310: {  	[tilespmem:s16+$0x14340] =	vst v2  }
0x311: {  	[tilespmem:s16+$0x143C0] =	vst v2  }
0x312: {  	[tilespmem:s16+$0x8050] =	vst v2  }
0x313: {  	[tilespmem:s16+$0x80D0] =	vst v2  }
0x314: {  	[tilespmem:s16+$0x8150] =	vst v2  }
0x315: {  	[tilespmem:s16+$0x81D0] =	vst v2  }
0x316: {  	[tilespmem:s16+$0x8250] =	vst v2  }
0x317: {  	[tilespmem:s16+$0x82D0] =	vst v2  }
0x318: {  	[tilespmem:s16+$0x8350] =	vst v2  }
0x319: {  	[tilespmem:s16+$0x83D0] =	vst v2  }
0x31a: {  	[tilespmem:s16+$0xC050] =	vst v2  }
0x31b: {  	[tilespmem:s16+$0xC0D0] =	vst v2  }
0x31c: {  	[tilespmem:s16+$0xC150] =	vst v2  }
0x31d: {  	[tilespmem:s16+$0xC1D0] =	vst v2  }
0x31e: {  	[tilespmem:s16+$0xC250] =	vst v2  }
0x31f: {  	[tilespmem:s16+$0xC2D0] =	vst v2  }
0x320: {  	[tilespmem:s16+$0xC350] =	vst v2  }
0x321: {  	[tilespmem:s16+$0xC3D0] =	vst v2  }
0x322: {  	[tilespmem:s16+$0x10050] =	vst v2  }
0x323: {  	[tilespmem:s16+$0x100D0] =	vst v2  }
0x324: {  	[tilespmem:s16+$0x10150] =	vst v2  }
0x325: {  	[tilespmem:s16+$0x101D0] =	vst v2  }
0x326: {  	[tilespmem:s16+$0x10250] =	vst v2  }
0x327: {  	[tilespmem:s16+$0x102D0] =	vst v2  }
0x328: {  	[tilespmem:s16+$0x10350] =	vst v2  }
0x329: {  	[tilespmem:s16+$0x103D0] =	vst v2  }
0x32a: {  	[tilespmem:s16+$0x14050] =	vst v2  }
0x32b: {  	[tilespmem:s16+$0x140D0] =	vst v2  }
0x32c: {  	[tilespmem:s16+$0x14150] =	vst v2  }
0x32d: {  	[tilespmem:s16+$0x141D0] =	vst v2  }
0x32e: {  	[tilespmem:s16+$0x14250] =	vst v2  }
0x32f: {  	[tilespmem:s16+$0x142D0] =	vst v2  }
0x330: {  	[tilespmem:s16+$0x14350] =	vst v2  }
0x331: {  	[tilespmem:s16+$0x143D0] =	vst v2  }
0x332: {  	[tilespmem:s16+$0x8060] =	vst v2  }
0x333: {  	[tilespmem:s16+$0x80E0] =	vst v2  }
0x334: {  	[tilespmem:s16+$0x8160] =	vst v2  }
0x335: {  	[tilespmem:s16+$0x81E0] =	vst v2  }
0x336: {  	[tilespmem:s16+$0x8260] =	vst v2  }
0x337: {  	[tilespmem:s16+$0x82E0] =	vst v2  }
0x338: {  	[tilespmem:s16+$0x8360] =	vst v2  }
0x339: {  	[tilespmem:s16+$0x83E0] =	vst v2  }
0x33a: {  	[tilespmem:s16+$0xC060] =	vst v2  }
0x33b: {  	[tilespmem:s16+$0xC0E0] =	vst v2  }
0x33c: {  	[tilespmem:s16+$0xC160] =	vst v2  }
0x33d: {  	[tilespmem:s16+$0xC1E0] =	vst v2  }
0x33e: {  	[tilespmem:s16+$0xC260] =	vst v2  }
0x33f: {  	[tilespmem:s16+$0xC2E0] =	vst v2  }
0x340: {  	[tilespmem:s16+$0xC360] =	vst v2  }
0x341: {  	[tilespmem:s16+$0xC3E0] =	vst v2  }
0x342: {  	[tilespmem:s16+$0x10060] =	vst v2  }
0x343: {  	[tilespmem:s16+$0x100E0] =	vst v2  }
0x344: {  	[tilespmem:s16+$0x10160] =	vst v2  }
0x345: {  	[tilespmem:s16+$0x101E0] =	vst v2  }
0x346: {  	[tilespmem:s16+$0x10260] =	vst v2  }
0x347: {  	[tilespmem:s16+$0x102E0] =	vst v2  }
0x348: {  	[tilespmem:s16+$0x10360] =	vst v2  }
0x349: {  	[tilespmem:s16+$0x103E0] =	vst v2  }
0x34a: {  	[tilespmem:s16+$0x14060] =	vst v2  }
0x34b: {  	[tilespmem:s16+$0x140E0] =	vst v2  }
0x34c: {  	[tilespmem:s16+$0x14160] =	vst v2  }
0x34d: {  	[tilespmem:s16+$0x141E0] =	vst v2  }
0x34e: {  	[tilespmem:s16+$0x14260] =	vst v2  }
0x34f: {  	[tilespmem:s16+$0x142E0] =	vst v2  }
0x350: {  	[tilespmem:s16+$0x14360] =	vst v2  }
0x351: {  	[tilespmem:s16+$0x143E0] =	vst v2  }
0x352: {  	[tilespmem:s16+$0x8070] =	vst v2  }
0x353: {  	[tilespmem:s16+$0x80F0] =	vst v2  }
0x354: {  	[tilespmem:s16+$0x8170] =	vst v2  }
0x355: {  	[tilespmem:s16+$0x81F0] =	vst v2  }
0x356: {  	[tilespmem:s16+$0x8270] =	vst v2  }
0x357: {  	[tilespmem:s16+$0x82F0] =	vst v2  }
0x358: {  	[tilespmem:s16+$0x8370] =	vst v2  }
0x359: {  	[tilespmem:s16+$0x83F0] =	vst v2  }
0x35a: {  	[tilespmem:s16+$0xC070] =	vst v2  }
0x35b: {  	[tilespmem:s16+$0xC0F0] =	vst v2  }
0x35c: {  	[tilespmem:s16+$0xC170] =	vst v2  }
0x35d: {  	[tilespmem:s16+$0xC1F0] =	vst v2  }
0x35e: {  	[tilespmem:s16+$0xC270] =	vst v2  }
0x35f: {  	[tilespmem:s16+$0xC2F0] =	vst v2  }
0x360: {  	[tilespmem:s16+$0xC370] =	vst v2  }
0x361: {  	[tilespmem:s16+$0xC3F0] =	vst v2  }
0x362: {  	[tilespmem:s16+$0x10070] =	vst v2  }
0x363: {  	[tilespmem:s16+$0x100F0] =	vst v2  }
0x364: {  	[tilespmem:s16+$0x10170] =	vst v2  }
0x365: {  	[tilespmem:s16+$0x101F0] =	vst v2  }
0x366: {  	[tilespmem:s16+$0x10270] =	vst v2  }
0x367: {  	[tilespmem:s16+$0x102F0] =	vst v2  }
0x368: {  	[tilespmem:s16+$0x10370] =	vst v2  }
0x369: {  	[tilespmem:s16+$0x103F0] =	vst v2  }
0x36a: {  	[tilespmem:s16+$0x14070] =	vst v2  }
0x36b: {  	[tilespmem:s16+$0x140F0] =	vst v2  }
0x36c: {  	[tilespmem:s16+$0x14170] =	vst v2  }
0x36d: {  	[tilespmem:s16+$0x141F0] =	vst v2  }
0x36e: {  	s18 =	simm.s32 $0x8;
	[tilespmem:s16+$0x14270] =	vst v2  }
.LBB2_6:
0x36f: {  	s15 =	sshll.u32 s18, $0x7;
	p0 =	slt.u32 s18, $0x78;
	[tilespmem:s16+$0x142F0] =	vst v2  }
0x370: {  	[tilespmem:s16+$0x14370] =	vst v2;
	s16 =	sand.u32 $0x3FFFFF80, s15  }
0x371: {  	s17 =	simm.s32 $0x40;
	s15 =	simm.s32 $0x4040;
	[tilespmem:s16+$0x143F0] =	vst v2  }
0x372: {  	[tilespmem:s16+$0x8000] =	vst v2  }
0x373: {  	[tilespmem:s16+$0x8080] =	vst v2  }
0x374: {  	[tilespmem:s16+$0x8100] =	vst v2  }
0x375: {  	[tilespmem:s16+$0x8180] =	vst v2  }
0x376: {  	[tilespmem:s16+$0x8200] =	vst v2  }
0x377: {  	[tilespmem:s16+$0x8280] =	vst v2  }
0x378: {  	[tilespmem:s16+$0x8300] =	vst v2  }
0x379: {  	[tilespmem:s16+$0x8380] =	vst v2  }
0x37a: {  	[tilespmem:s16+$0xC000] =	vst v2  }
0x37b: {  	[tilespmem:s16+$0xC080] =	vst v2  }
0x37c: {  	[tilespmem:s16+$0xC100] =	vst v2  }
0x37d: {  	[tilespmem:s16+$0xC180] =	vst v2  }
0x37e: {  	[tilespmem:s16+$0xC200] =	vst v2  }
0x37f: {  	[tilespmem:s16+$0xC280] =	vst v2  }
0x380: {  	[tilespmem:s16+$0xC300] =	vst v2  }
0x381: {  	[tilespmem:s16+$0xC380] =	vst v2  }
0x382: {  	[tilespmem:s16+$0x10000] =	vst v2  }
0x383: {  	[tilespmem:s16+$0x10080] =	vst v2  }
0x384: {  	[tilespmem:s16+$0x10100] =	vst v2  }
0x385: {  	[tilespmem:s16+$0x10180] =	vst v2  }
0x386: {  	[tilespmem:s16+$0x10200] =	vst v2  }
0x387: {  	[tilespmem:s16+$0x10280] =	vst v2  }
0x388: {  	[tilespmem:s16+$0x10300] =	vst v2  }
0x389: {  	[tilespmem:s16+$0x10380] =	vst v2  }
0x38a: {  	[tilespmem:s16+$0x14000] =	vst v2  }
0x38b: {  	[tilespmem:s16+$0x14080] =	vst v2  }
0x38c: {  	[tilespmem:s16+$0x14100] =	vst v2  }
0x38d: {  	[tilespmem:s16+$0x14180] =	vst v2  }
0x38e: {  	[tilespmem:s16+$0x14200] =	vst v2  }
0x38f: {  	[tilespmem:s16+$0x14280] =	vst v2  }
0x390: {  	[tilespmem:s16+$0x14300] =	vst v2  }
0x391: {  	[tilespmem:s16+$0x14380] =	vst v2  }
0x392: {  	[tilespmem:s16+$0x8010] =	vst v2  }
0x393: {  	[tilespmem:s16+$0x8090] =	vst v2  }
0x394: {  	[tilespmem:s16+$0x8110] =	vst v2  }
0x395: {  	[tilespmem:s16+$0x8190] =	vst v2  }
0x396: {  	[tilespmem:s16+$0x8210] =	vst v2  }
0x397: {  	[tilespmem:s16+$0x8290] =	vst v2  }
0x398: {  	[tilespmem:s16+$0x8310] =	vst v2  }
0x399: {  	[tilespmem:s16+$0x8390] =	vst v2  }
0x39a: {  	[tilespmem:s16+$0xC010] =	vst v2  }
0x39b: {  	[tilespmem:s16+$0xC090] =	vst v2  }
0x39c: {  	[tilespmem:s16+$0xC110] =	vst v2  }
0x39d: {  	[tilespmem:s16+$0xC190] =	vst v2  }
0x39e: {  	[tilespmem:s16+$0xC210] =	vst v2  }
0x39f: {  	[tilespmem:s16+$0xC290] =	vst v2  }
0x3a0: {  	[tilespmem:s16+$0xC310] =	vst v2  }
0x3a1: {  	[tilespmem:s16+$0xC390] =	vst v2  }
0x3a2: {  	[tilespmem:s16+$0x10010] =	vst v2  }
0x3a3: {  	[tilespmem:s16+$0x10090] =	vst v2  }
0x3a4: {  	[tilespmem:s16+$0x10110] =	vst v2  }
0x3a5: {  	[tilespmem:s16+$0x10190] =	vst v2  }
0x3a6: {  	[tilespmem:s16+$0x10210] =	vst v2  }
0x3a7: {  	[tilespmem:s16+$0x10290] =	vst v2  }
0x3a8: {  	[tilespmem:s16+$0x10310] =	vst v2  }
0x3a9: {  	[tilespmem:s16+$0x10390] =	vst v2  }
0x3aa: {  	[tilespmem:s16+$0x14010] =	vst v2  }
0x3ab: {  	[tilespmem:s16+$0x14090] =	vst v2  }
0x3ac: {  	[tilespmem:s16+$0x14110] =	vst v2  }
0x3ad: {  	[tilespmem:s16+$0x14190] =	vst v2  }
0x3ae: {  	[tilespmem:s16+$0x14210] =	vst v2  }
0x3af: {  	[tilespmem:s16+$0x14290] =	vst v2  }
0x3b0: {  	[tilespmem:s16+$0x14310] =	vst v2  }
0x3b1: {  	[tilespmem:s16+$0x14390] =	vst v2  }
0x3b2: {  	[tilespmem:s16+$0x8020] =	vst v2  }
0x3b3: {  	[tilespmem:s16+$0x80A0] =	vst v2  }
0x3b4: {  	[tilespmem:s16+$0x8120] =	vst v2  }
0x3b5: {  	[tilespmem:s16+$0x81A0] =	vst v2  }
0x3b6: {  	[tilespmem:s16+$0x8220] =	vst v2  }
0x3b7: {  	[tilespmem:s16+$0x82A0] =	vst v2  }
0x3b8: {  	[tilespmem:s16+$0x8320] =	vst v2  }
0x3b9: {  	[tilespmem:s16+$0x83A0] =	vst v2  }
0x3ba: {  	[tilespmem:s16+$0xC020] =	vst v2  }
0x3bb: {  	[tilespmem:s16+$0xC0A0] =	vst v2  }
0x3bc: {  	[tilespmem:s16+$0xC120] =	vst v2  }
0x3bd: {  	[tilespmem:s16+$0xC1A0] =	vst v2  }
0x3be: {  	[tilespmem:s16+$0xC220] =	vst v2  }
0x3bf: {  	[tilespmem:s16+$0xC2A0] =	vst v2  }
0x3c0: {  	[tilespmem:s16+$0xC320] =	vst v2  }
0x3c1: {  	[tilespmem:s16+$0xC3A0] =	vst v2  }
0x3c2: {  	[tilespmem:s16+$0x10020] =	vst v2  }
0x3c3: {  	[tilespmem:s16+$0x100A0] =	vst v2  }
0x3c4: {  	[tilespmem:s16+$0x10120] =	vst v2  }
0x3c5: {  	[tilespmem:s16+$0x101A0] =	vst v2  }
0x3c6: {  	[tilespmem:s16+$0x10220] =	vst v2  }
0x3c7: {  	[tilespmem:s16+$0x102A0] =	vst v2  }
0x3c8: {  	[tilespmem:s16+$0x10320] =	vst v2  }
0x3c9: {  	[tilespmem:s16+$0x103A0] =	vst v2  }
0x3ca: {  	[tilespmem:s16+$0x14020] =	vst v2  }
0x3cb: {  	[tilespmem:s16+$0x140A0] =	vst v2  }
0x3cc: {  	[tilespmem:s16+$0x14120] =	vst v2  }
0x3cd: {  	[tilespmem:s16+$0x141A0] =	vst v2  }
0x3ce: {  	[tilespmem:s16+$0x14220] =	vst v2  }
0x3cf: {  	[tilespmem:s16+$0x142A0] =	vst v2  }
0x3d0: {  	[tilespmem:s16+$0x14320] =	vst v2  }
0x3d1: {  	[tilespmem:s16+$0x143A0] =	vst v2  }
0x3d2: {  	[tilespmem:s16+$0x8030] =	vst v2  }
0x3d3: {  	[tilespmem:s16+$0x80B0] =	vst v2  }
0x3d4: {  	[tilespmem:s16+$0x8130] =	vst v2  }
0x3d5: {  	[tilespmem:s16+$0x81B0] =	vst v2  }
0x3d6: {  	[tilespmem:s16+$0x8230] =	vst v2  }
0x3d7: {  	[tilespmem:s16+$0x82B0] =	vst v2  }
0x3d8: {  	[tilespmem:s16+$0x8330] =	vst v2  }
0x3d9: {  	[tilespmem:s16+$0x83B0] =	vst v2  }
0x3da: {  	[tilespmem:s16+$0xC030] =	vst v2  }
0x3db: {  	[tilespmem:s16+$0xC0B0] =	vst v2  }
0x3dc: {  	[tilespmem:s16+$0xC130] =	vst v2  }
0x3dd: {  	[tilespmem:s16+$0xC1B0] =	vst v2  }
0x3de: {  	[tilespmem:s16+$0xC230] =	vst v2  }
0x3df: {  	[tilespmem:s16+$0xC2B0] =	vst v2  }
0x3e0: {  	[tilespmem:s16+$0xC330] =	vst v2  }
0x3e1: {  	[tilespmem:s16+$0xC3B0] =	vst v2  }
0x3e2: {  	[tilespmem:s16+$0x10030] =	vst v2  }
0x3e3: {  	[tilespmem:s16+$0x100B0] =	vst v2  }
0x3e4: {  	[tilespmem:s16+$0x10130] =	vst v2  }
0x3e5: {  	[tilespmem:s16+$0x101B0] =	vst v2  }
0x3e6: {  	[tilespmem:s16+$0x10230] =	vst v2  }
0x3e7: {  	[tilespmem:s16+$0x102B0] =	vst v2  }
0x3e8: {  	[tilespmem:s16+$0x10330] =	vst v2  }
0x3e9: {  	[tilespmem:s16+$0x103B0] =	vst v2  }
0x3ea: {  	[tilespmem:s16+$0x14030] =	vst v2  }
0x3eb: {  	[tilespmem:s16+$0x140B0] =	vst v2  }
0x3ec: {  	[tilespmem:s16+$0x14130] =	vst v2  }
0x3ed: {  	[tilespmem:s16+$0x141B0] =	vst v2  }
0x3ee: {  	[tilespmem:s16+$0x14230] =	vst v2  }
0x3ef: {  	[tilespmem:s16+$0x142B0] =	vst v2  }
0x3f0: {  	[tilespmem:s16+$0x14330] =	vst v2  }
0x3f1: {  	[tilespmem:s16+$0x143B0] =	vst v2  }
0x3f2: {  	[tilespmem:s16+$0x8040] =	vst v2  }
0x3f3: {  	[tilespmem:s16+$0x80C0] =	vst v2  }
0x3f4: {  	[tilespmem:s16+$0x8140] =	vst v2  }
0x3f5: {  	[tilespmem:s16+$0x81C0] =	vst v2  }
0x3f6: {  	[tilespmem:s16+$0x8240] =	vst v2  }
0x3f7: {  	[tilespmem:s16+$0x82C0] =	vst v2  }
0x3f8: {  	[tilespmem:s16+$0x8340] =	vst v2  }
0x3f9: {  	[tilespmem:s16+$0x83C0] =	vst v2  }
0x3fa: {  	[tilespmem:s16+$0xC040] =	vst v2  }
0x3fb: {  	[tilespmem:s16+$0xC0C0] =	vst v2  }
0x3fc: {  	[tilespmem:s16+$0xC140] =	vst v2  }
0x3fd: {  	[tilespmem:s16+$0xC1C0] =	vst v2  }
0x3fe: {  	[tilespmem:s16+$0xC240] =	vst v2  }
0x3ff: {  	[tilespmem:s16+$0xC2C0] =	vst v2  }
0x400: {  	[tilespmem:s16+$0xC340] =	vst v2  }
0x401: {  	[tilespmem:s16+$0xC3C0] =	vst v2  }
0x402: {  	[tilespmem:s16+$0x10040] =	vst v2  }
0x403: {  	[tilespmem:s16+$0x100C0] =	vst v2  }
0x404: {  	[tilespmem:s16+$0x10140] =	vst v2  }
0x405: {  	[tilespmem:s16+$0x101C0] =	vst v2  }
0x406: {  	[tilespmem:s16+$0x10240] =	vst v2  }
0x407: {  	[tilespmem:s16+$0x102C0] =	vst v2  }
0x408: {  	[tilespmem:s16+$0x10340] =	vst v2  }
0x409: {  	[tilespmem:s16+$0x103C0] =	vst v2  }
0x40a: {  	[tilespmem:s16+$0x14040] =	vst v2  }
0x40b: {  	[tilespmem:s16+$0x140C0] =	vst v2  }
0x40c: {  	[tilespmem:s16+$0x14140] =	vst v2  }
0x40d: {  	[tilespmem:s16+$0x141C0] =	vst v2  }
0x40e: {  	[tilespmem:s16+$0x14240] =	vst v2  }
0x40f: {  	[tilespmem:s16+$0x142C0] =	vst v2  }
0x410: {  	[tilespmem:s16+$0x14340] =	vst v2  }
0x411: {  	[tilespmem:s16+$0x143C0] =	vst v2  }
0x412: {  	[tilespmem:s16+$0x8050] =	vst v2  }
0x413: {  	[tilespmem:s16+$0x80D0] =	vst v2  }
0x414: {  	[tilespmem:s16+$0x8150] =	vst v2  }
0x415: {  	[tilespmem:s16+$0x81D0] =	vst v2  }
0x416: {  	[tilespmem:s16+$0x8250] =	vst v2  }
0x417: {  	[tilespmem:s16+$0x82D0] =	vst v2  }
0x418: {  	[tilespmem:s16+$0x8350] =	vst v2  }
0x419: {  	[tilespmem:s16+$0x83D0] =	vst v2  }
0x41a: {  	[tilespmem:s16+$0xC050] =	vst v2  }
0x41b: {  	[tilespmem:s16+$0xC0D0] =	vst v2  }
0x41c: {  	[tilespmem:s16+$0xC150] =	vst v2  }
0x41d: {  	[tilespmem:s16+$0xC1D0] =	vst v2  }
0x41e: {  	[tilespmem:s16+$0xC250] =	vst v2  }
0x41f: {  	[tilespmem:s16+$0xC2D0] =	vst v2  }
0x420: {  	[tilespmem:s16+$0xC350] =	vst v2  }
0x421: {  	[tilespmem:s16+$0xC3D0] =	vst v2  }
0x422: {  	[tilespmem:s16+$0x10050] =	vst v2  }
0x423: {  	[tilespmem:s16+$0x100D0] =	vst v2  }
0x424: {  	[tilespmem:s16+$0x10150] =	vst v2  }
0x425: {  	[tilespmem:s16+$0x101D0] =	vst v2  }
0x426: {  	[tilespmem:s16+$0x10250] =	vst v2  }
0x427: {  	[tilespmem:s16+$0x102D0] =	vst v2  }
0x428: {  	[tilespmem:s16+$0x10350] =	vst v2  }
0x429: {  	[tilespmem:s16+$0x103D0] =	vst v2  }
0x42a: {  	[tilespmem:s16+$0x14050] =	vst v2  }
0x42b: {  	[tilespmem:s16+$0x140D0] =	vst v2  }
0x42c: {  	[tilespmem:s16+$0x14150] =	vst v2  }
0x42d: {  	[tilespmem:s16+$0x141D0] =	vst v2  }
0x42e: {  	[tilespmem:s16+$0x14250] =	vst v2  }
0x42f: {  	[tilespmem:s16+$0x142D0] =	vst v2  }
0x430: {  	[tilespmem:s16+$0x14350] =	vst v2  }
0x431: {  	[tilespmem:s16+$0x143D0] =	vst v2  }
0x432: {  	[tilespmem:s16+$0x8060] =	vst v2  }
0x433: {  	[tilespmem:s16+$0x80E0] =	vst v2  }
0x434: {  	[tilespmem:s16+$0x8160] =	vst v2  }
0x435: {  	[tilespmem:s16+$0x81E0] =	vst v2  }
0x436: {  	[tilespmem:s16+$0x8260] =	vst v2  }
0x437: {  	[tilespmem:s16+$0x82E0] =	vst v2  }
0x438: {  	[tilespmem:s16+$0x8360] =	vst v2  }
0x439: {  	[tilespmem:s16+$0x83E0] =	vst v2  }
0x43a: {  	[tilespmem:s16+$0xC060] =	vst v2  }
0x43b: {  	[tilespmem:s16+$0xC0E0] =	vst v2  }
0x43c: {  	[tilespmem:s16+$0xC160] =	vst v2  }
0x43d: {  	[tilespmem:s16+$0xC1E0] =	vst v2  }
0x43e: {  	[tilespmem:s16+$0xC260] =	vst v2  }
0x43f: {  	[tilespmem:s16+$0xC2E0] =	vst v2  }
0x440: {  	[tilespmem:s16+$0xC360] =	vst v2  }
0x441: {  	[tilespmem:s16+$0xC3E0] =	vst v2  }
0x442: {  	[tilespmem:s16+$0x10060] =	vst v2  }
0x443: {  	[tilespmem:s16+$0x100E0] =	vst v2  }
0x444: {  	[tilespmem:s16+$0x10160] =	vst v2  }
0x445: {  	[tilespmem:s16+$0x101E0] =	vst v2  }
0x446: {  	[tilespmem:s16+$0x10260] =	vst v2  }
0x447: {  	[tilespmem:s16+$0x102E0] =	vst v2  }
0x448: {  	[tilespmem:s16+$0x10360] =	vst v2  }
0x449: {  	[tilespmem:s16+$0x103E0] =	vst v2  }
0x44a: {  	[tilespmem:s16+$0x14060] =	vst v2  }
0x44b: {  	[tilespmem:s16+$0x140E0] =	vst v2  }
0x44c: {  	[tilespmem:s16+$0x14160] =	vst v2  }
0x44d: {  	[tilespmem:s16+$0x141E0] =	vst v2  }
0x44e: {  	[tilespmem:s16+$0x14260] =	vst v2  }
0x44f: {  	[tilespmem:s16+$0x142E0] =	vst v2  }
0x450: {  	[tilespmem:s16+$0x14360] =	vst v2  }
0x451: {  	[tilespmem:s16+$0x143E0] =	vst v2  }
0x452: {  	[tilespmem:s16+$0x8070] =	vst v2  }
0x453: {  	[tilespmem:s16+$0x80F0] =	vst v2  }
0x454: {  	[tilespmem:s16+$0x8170] =	vst v2  }
0x455: {  	[tilespmem:s16+$0x81F0] =	vst v2  }
0x456: {  	[tilespmem:s16+$0x8270] =	vst v2  }
0x457: {  	[tilespmem:s16+$0x82F0] =	vst v2  }
0x458: {  	[tilespmem:s16+$0x8370] =	vst v2  }
0x459: {  	[tilespmem:s16+$0x83F0] =	vst v2  }
0x45a: {  	[tilespmem:s16+$0xC070] =	vst v2  }
0x45b: {  	[tilespmem:s16+$0xC0F0] =	vst v2  }
0x45c: {  	[tilespmem:s16+$0xC170] =	vst v2  }
0x45d: {  	[tilespmem:s16+$0xC1F0] =	vst v2  }
0x45e: {  	[tilespmem:s16+$0xC270] =	vst v2  }
0x45f: {  	[tilespmem:s16+$0xC2F0] =	vst v2  }
0x460: {  	[tilespmem:s16+$0xC370] =	vst v2  }
0x461: {  	[tilespmem:s16+$0xC3F0] =	vst v2  }
0x462: {  	[tilespmem:s16+$0x10070] =	vst v2  }
0x463: {  	[tilespmem:s16+$0x100F0] =	vst v2  }
0x464: {  	[tilespmem:s16+$0x10170] =	vst v2  }
0x465: {  	[tilespmem:s16+$0x101F0] =	vst v2  }
0x466: {  	[tilespmem:s16+$0x10270] =	vst v2  }
0x467: {  	[tilespmem:s16+$0x102F0] =	vst v2  }
0x468: {  	[tilespmem:s16+$0x10370] =	vst v2  }
0x469: {  	[tilespmem:s16+$0x103F0] =	vst v2  }
.Ltmp2:
0x46a: {  	[tilespmem:s16+$0x14070] =	vst v2;
	(pc) =	sbr.rel @p0 .LBB2_6-.Ltmp2, $4  }
0x46b: {  	[tilespmem:s16+$0x140F0] =	vst v2  }
0x46c: {  	[tilespmem:s16+$0x14170] =	vst v2  }
0x46d: {  	[tilespmem:s16+$0x141F0] =	vst v2  }
0x46e: {  	s18 =	sadd.s32 $0x8, s18;
	[tilespmem:s16+$0x14270] =	vst v2  }
0x46f: {  	[tilespmem:s16+$0x142F0] =	vst v2  }
0x470: {  	[tilespmem:s16+$0x14370] =	vst v2  }
0x471: {  	v4 =	vld [tilespmem:s17+$0x30]  }
0x472: {  	v5 =	vld [tilespmem:s17+$0xFFFFFFD0]  }
0x473: {  	v6 =	vld [tilespmem:s15+$0x30]  }
0x474: {  	v8 =	vld [tilespmem:s17+$0xFFFFFFF0]  }
0x475: {  	v21 =	vld [tilespmem:s15+$0xFFFFFFC0]  }
0x476: {  	v22 =	vld [tilespmem:s15+$0xFFFFFFD0]  }
0x477: {  	v23 =	vld [tilespmem:s15+$0xFFFFFFE0]  }
0x478: {  	v25 =	vld [tilespmem:s15+$0xFFFFFFF0];
	_ =	sdelay $0x1  }
0x479: {  	v9 =	vld [tilespmem:s17+$0x0]  }
0x47a: {  	v11 =	vld [tilespmem:s17+$0x10];
	v10 =	vsub.s32 v4, v1;
	v4 =	vsub.s32 v5, v1;
	v15 =	vshll.u32 v6, $0x3  }
0x47b: {  	v8 =	vsub.s32 v8, v1;
	v32 =	vshll.u32 v21, $0x3;
	v33 =	vshll.u32 v22, $0x3  }
0x47c: {  	v7 =	vld [tilespmem:s17+$0xFFFFFFE0];
	v35 =	vshll.u32 v23, $0x3;
	v36 =	vshll.u32 v25, $0x3;
	v21 =	vand.u32 $0x7F, v21  }
0x47d: {  	v23 =	vand.u32 $0x7F, v23;
	v5 =	vmin.u32 v10, $0x1F;
	v14 =	vmin.u32 v4, $0x1F  }
0x47e: {  	v15 =	vand.u32 $0xFFFFFC00, v15;
	vm0 =	vlt.u32 v10, $0x20;
	v10 =	vand.u32 $0x7F, v6  }
0x47f: {  	v6 =	vsub.s32 v9, v1;
	v9 =	vsub.s32 v11, v1;
	v32 =	vand.u32 $0xFFFFFC00, v32  }
0x480: {  	v33 =	vand.u32 $0xFFFFFC00, v33;
	v35 =	vand.u32 $0xFFFFFC00, v35;
	v36 =	vand.u32 $0xFFFFFC00, v36  }
0x481: {  	v13 =	vshll.u32 v5, $0xB;
	v17 =	vshll.u32 v5, $0x7;
	v5 =	vsub.s32 v7, v1  }
0x482: {  	v19 =	vmin.u32 v9, $0x1F;
	v27 =	vshll.u32 v14, $0xB;
	v14 =	vshll.u32 v14, $0x7  }
0x483: {  	v12 =	vld [tilespmem:s17+$0x20];
	v13 =	vand.u32 $0xC000, v13;
	v31 =	vshll.u32 v19, $0xB;
	v27 =	vand.u32 $0xC000, v27  }
0x484: {  	v16 =	vld [tilespmem:s17+$0xFFFFFFC0];
	v19 =	vshll.u32 v19, $0x7;
	v14 =	vand.u32 $0x380, v14;
	v7 =	vadd.s32 v15, v13  }
0x485: {  	v11 =	vld [tilespmem:s15+$0x0];
	v13 =	vand.u32 $0x380, v17;
	v15 =	vmin.u32 v5, $0x1F;
	v17 =	vmin.u32 v6, $0x1F  }
0x486: {  	v27 =	vadd.s32 v33, v27;
	v31 =	vand.u32 $0xC000, v31;
	v63 =	vand.u32 $0x380, v19  }
0x487: {  	v7 =	vor.u32 v13, v7;
	v28 =	vshll.u32 v15, $0xB;
	v30 =	vshll.u32 v17, $0xB  }
0x488: {  	v15 =	vshll.u32 v15, $0x7;
	v17 =	vshll.u32 v17, $0x7;
	v24 =	vor.u32 v10, v7  }
0x489: {  	v7 =	vsub.s32 v12, v1;
	v10 =	vsub.s32 v16, v1;
	v16 =	vmin.u32 v8, $0x1F  }
0x48a: {  	v37 =	vshll.u32 v11, $0x3;
	v28 =	vand.u32 $0xC000, v28;
	v30 =	vand.u32 $0xC000, v30  }
0x48b: {  	v15 =	vand.u32 $0x380, v15;
	v62 =	vand.u32 $0x380, v17;
	v18 =	vmin.u32 v10, $0x1F  }
0x48c: {  	v13 =	vld [tilespmem:s15+$0x20];
	v20 =	vmin.u32 v7, $0x1F;
	v29 =	vshll.u32 v16, $0xB;
	v16 =	vshll.u32 v16, $0x7  }
0x48d: {  	v12 =	vld [tilespmem:s15+$0x10];
	v37 =	vand.u32 $0xFFFFFC00, v37;
	v28 =	vadd.s32 v35, v28;
	v26 =	vshll.u32 v18, $0xB  }
0x48e: {  	v34 =	vshll.u32 v20, $0xB;
	v29 =	vand.u32 $0xC000, v29;
	v18 =	vshll.u32 v18, $0x7  }
0x48f: {  	v20 =	vshll.u32 v20, $0x7;
	v30 =	vadd.s32 v37, v30;
	v16 =	vand.u32 $0x380, v16  }
0x490: {  	v26 =	vand.u32 $0xC000, v26;
	v34 =	vand.u32 $0xC000, v34;
	v29 =	vadd.s32 v36, v29  }
0x491: {  	v18 =	vand.u32 $0x380, v18;
	v26 =	vadd.s32 v32, v26;
	v60 =	vshll.u32 v13, $0x3  }
0x492: {  	v17 =	vor.u32 v16, v29;
	v59 =	vshll.u32 v12, $0x3;
	v33 =	vand.u32 $0xFFFFFC00, v60  }
0x493: {  	v19 =	vor.u32 v18, v26;
	v18 =	vor.u32 v14, v27;
	v14 =	vand.u32 $0x380, v20  }
0x494: {  	v20 =	vor.u32 v15, v28;
	v15 =	vor.u32 v62, v30;
	v32 =	vand.u32 $0xFFFFFC00, v59  }
0x495: {  	[tilespmem:v24+s12+$0x0] =	vst.idx.add.f32.msk vm0, v3;
	v24 =	vand.u32 $0x7F, v22;
	v61 =	vadd.s32 v33, v34;
	v31 =	vadd.s32 v32, v31  }
0x496: {  	s16 =	simm.s32 $0x0;
	s17 =	simm.s32 $0xC0;
	v22 =	vand.u32 $0x7F, v25;
	v14 =	vor.u32 v14, v61;
	v16 =	vor.u32 v63, v31  }
.LBB2_8:
0x497: {  	v25 =	vld [tilespmem:s17+$0x30];
	s16 =	sadd.s32 $0x8, s16;
	v11 =	vand.u32 $0x7F, v11;
	v12 =	vand.u32 $0x7F, v12;
	v13 =	vand.u32 $0x7F, v13  }
0x498: {  	v19 =	vor.u32 v21, v19;
	v18 =	vor.u32 v24, v18;
	v20 =	vor.u32 v23, v20;
	s15 =	sadd.s32 $0x80, s15;
	v26 =	vld [tilespmem:s17+$0xFFFFFFD0];
	p0 =	slt.u32 s16, $0x3F8  }
0x499: {  	v17 =	vor.u32 v22, v17;
	v15 =	vor.u32 v11, v15;
	v16 =	vor.u32 v12, v16;
	v21 =	vld [tilespmem:s15+$0x30]  }
0x49a: {  	vm6 =	vlt.u32 v10, $0x20;
	vm5 =	vlt.u32 v4, $0x20;
	v14 =	vor.u32 v13, v14;
	v11 =	vld [tilespmem:s17+$0xFFFFFFE0]  }
0x49b: {  	vm4 =	vlt.u32 v5, $0x20;
	vm3 =	vlt.u32 v8, $0x20;
	vm2 =	vlt.u32 v6, $0x20;
	v10 =	vld [tilespmem:s17+$0xFFFFFFF0]  }
0x49c: {  	vm1 =	vlt.u32 v9, $0x20;
	vm0 =	vlt.u32 v7, $0x20;
	v6 =	vld [tilespmem:s17+$0x0];
	v8 =	vsub.s32 v25, v1  }
0x49d: {  	v4 =	vsub.s32 v26, v1;
	v7 =	vld [tilespmem:s17+$0x10];
	v5 =	vmin.u32 v8, $0x1F  }
0x49e: {  	v22 =	vmin.u32 v4, $0x1F;
	v12 =	vld [tilespmem:s17+$0x20];
	v9 =	vshll.u32 v5, $0xB;
	v13 =	vshll.u32 v21, $0x3  }
0x49f: {  	v24 =	vshll.u32 v5, $0x7;
	v23 =	vld [tilespmem:s17+$0xFFFFFFC0];
	v9 =	vand.u32 $0xC000, v9;
	v13 =	vand.u32 $0xFFFFFC00, v13  }
0x4a0: {  	v5 =	vsub.s32 v11, v1;
	v11 =	vand.u32 $0x380, v24;
	v25 =	vld [tilespmem:s15+$0xFFFFFFC0];
	v9 =	vadd.s32 v13, v9  }
0x4a1: {  	vm7 =	vlt.u32 v8, $0x20;
	v13 =	vand.u32 $0x7F, v21;
	v24 =	vld [tilespmem:s15+$0xFFFFFFD0];
	v9 =	vor.u32 v11, v9  }
0x4a2: {  	v8 =	vsub.s32 v10, v1;
	v6 =	vsub.s32 v6, v1;
	v26 =	vld [tilespmem:s15+$0xFFFFFFE0];
	v21 =	vor.u32 v13, v9  }
0x4a3: {  	v27 =	vmin.u32 v5, $0x1F;
	v9 =	vsub.s32 v7, v1;
	v28 =	vld [tilespmem:s15+$0xFFFFFFF0];
	v7 =	vsub.s32 v12, v1  }
0x4a4: {  	v29 =	vmin.u32 v6, $0x1F;
	v10 =	vsub.s32 v23, v1;
	v23 =	vmin.u32 v8, $0x1F;
	v11 =	vld [tilespmem:s15+$0x0]  }
0x4a5: {  	v31 =	vmin.u32 v9, $0x1F;
	v32 =	vmin.u32 v7, $0x1F;
	v30 =	vmin.u32 v10, $0x1F;
	v12 =	vld [tilespmem:s15+$0x10]  }
0x4a6: {  	v34 =	vshll.u32 v22, $0xB;
	v35 =	vshll.u32 v27, $0xB;
	v33 =	vshll.u32 v30, $0xB;
	v13 =	vld [tilespmem:s15+$0x20]  }
0x4a7: {  	v37 =	vshll.u32 v29, $0xB;
	v38 =	vshll.u32 v31, $0xB;
	v36 =	vshll.u32 v23, $0xB;
	[tilespmem:v21+s12+$0x0] =	vst.idx.add.f32.msk vm7, v3  }
0x4a8: {  	v40 =	vshll.u32 v32, $0xB;
	v39 =	vshll.u32 v24, $0x3;
	v21 =	vshll.u32 v25, $0x3;
	[tilespmem:v19+s12+$0x0] =	vst.idx.add.f32.msk vm6, v3  }
0x4a9: {  	v19 =	vshll.u32 v26, $0x3;
	v41 =	vshll.u32 v28, $0x3;
	v42 =	vshll.u32 v11, $0x3;
	[tilespmem:v18+s12+$0x0] =	vst.idx.add.f32.msk vm5, v3  }
0x4aa: {  	v18 =	vand.u32 $0xC000, v33;
	v33 =	vand.u32 $0xC000, v34;
	v34 =	vshll.u32 v12, $0x3;
	[tilespmem:v20+s12+$0x0] =	vst.idx.add.f32.msk vm4, v3  }
0x4ab: {  	v20 =	vand.u32 $0xC000, v35;
	v35 =	vand.u32 $0xC000, v36;
	v36 =	vshll.u32 v13, $0x3;
	[tilespmem:v17+s12+$0x0] =	vst.idx.add.f32.msk vm3, v3  }
0x4ac: {  	v17 =	vand.u32 $0xC000, v37;
	v37 =	vand.u32 $0xC000, v38;
	v38 =	vand.u32 $0xC000, v40;
	[tilespmem:v15+s12+$0x0] =	vst.idx.add.f32.msk vm2, v3  }
0x4ad: {  	v22 =	vshll.u32 v22, $0x7;
	v27 =	vshll.u32 v27, $0x7;
	v15 =	vshll.u32 v30, $0x7;
	[tilespmem:v16+s12+$0x0] =	vst.idx.add.f32.msk vm1, v3  }
0x4ae: {  	v16 =	vshll.u32 v23, $0x7;
	v23 =	vshll.u32 v29, $0x7;
	v29 =	vshll.u32 v31, $0x7;
	[tilespmem:v14+s12+$0x0] =	vst.idx.add.f32.msk vm0, v3  }
0x4af: {  	v30 =	vshll.u32 v32, $0x7;
	v14 =	vand.u32 $0xFFFFFC00, v21;
	v21 =	vand.u32 $0xFFFFFC00, v39  }
0x4b0: {  	v19 =	vand.u32 $0xFFFFFC00, v19;
	v32 =	vand.u32 $0xFFFFFC00, v42;
	v31 =	vand.u32 $0xFFFFFC00, v41  }
0x4b1: {  	v14 =	vadd.s32 v14, v18;
	v18 =	vand.u32 $0xFFFFFC00, v34;
	v34 =	vand.u32 $0xFFFFFC00, v36  }
0x4b2: {  	v20 =	vadd.s32 v19, v20;
	v31 =	vadd.s32 v31, v35;
	v21 =	vadd.s32 v21, v33  }
0x4b3: {  	v32 =	vadd.s32 v32, v17;
	v33 =	vadd.s32 v18, v37;
	v34 =	vadd.s32 v34, v38  }
0x4b4: {  	v15 =	vand.u32 $0x380, v15;
	v17 =	vand.u32 $0x380, v22;
	v22 =	vand.u32 $0x380, v27  }
.Ltmp3:
0x4b5: {  	v16 =	vand.u32 $0x380, v16;
	v23 =	vand.u32 $0x380, v23;
	v27 =	vand.u32 $0x380, v29;
	(pc) =	sbr.rel @p0 .LBB2_8-.Ltmp3, $4  }
0x4b6: {  	v19 =	vor.u32 v15, v14;
	v18 =	vor.u32 v17, v21;
	v14 =	vand.u32 $0x380, v30  }
0x4b7: {  	v20 =	vor.u32 v22, v20;
	v17 =	vor.u32 v16, v31;
	v15 =	vor.u32 v23, v32  }
0x4b8: {  	v21 =	vand.u32 $0x7F, v25;
	v16 =	vor.u32 v27, v33;
	v14 =	vor.u32 v14, v34  }
0x4b9: {  	s17 =	sadd.s32 $0x80, s17;
	v24 =	vand.u32 $0x7F, v24;
	v22 =	vand.u32 $0x7F, v28;
	v23 =	vand.u32 $0x7F, v26  }
0x4ba: {  	vm0 =	vlt.u32 v10, $0x20  }
0x4bb: {  	v58 =	vor.u32 v21, v19;
	vm1 =	vlt.u32 v4, $0x20  }
0x4bc: {  	v4 =	vor.u32 v24, v18;
	vm2 =	vlt.u32 v5, $0x20  }
0x4bd: {  	v5 =	vor.u32 v23, v20;
	vm3 =	vlt.u32 v8, $0x20  }
0x4be: {  	v59 =	vand.u32 $0x7F, v11;
	v60 =	vor.u32 v22, v17;
	vm4 =	vlt.u32 v6, $0x20  }
0x4bf: {  	v61 =	vand.u32 $0x7F, v12;
	vm5 =	vlt.u32 v9, $0x20;
	v8 =	vor.u32 v59, v15  }
0x4c0: {  	v62 =	vand.u32 $0x7F, v13;
	vm6 =	vlt.u32 v7, $0x20;
	v6 =	vor.u32 v61, v16;
	[tilespmem:v58+s12+$0x0] =	vst.idx.add.f32.msk vm0, v3  }
0x4c1: {  	v63 =	vor.u32 v62, v14;
	[tilespmem:v4+s12+$0x0] =	vst.idx.add.f32.msk vm1, v3  }
0x4c2: {  	[tilespmem:v5+s12+$0x0] =	vst.idx.add.f32.msk vm2, v3  }
0x4c3: {  	[tilespmem:v60+s12+$0x0] =	vst.idx.add.f32.msk vm3, v3  }
0x4c4: {  	s14 =	sadd.s32 $0x1, s14;
	[tilespmem:v8+s12+$0x0] =	vst.idx.add.f32.msk vm4, v3  }
0x4c5: {  	p0 =	sne.s32 s14, s7;
	[tilespmem:v6+s12+$0x0] =	vst.idx.add.f32.msk vm5, v3  }
.Ltmp4:
0x4c6: {  	[tilespmem:v63+s12+$0x0] =	vst.idx.add.f32.msk vm6, v3;
	(pc) =	sbr.rel @p0 .LBB2_1-.Ltmp4, $4  }
0x4c7: {  	[hbm4b:s6+s3] =	stream.linear.scatter [tilespmem:s12], [sflag:$0x2], $0x10000, $0x38;
	[tilespmem:$0x18000] =	vst v63  }
0x4c8: {  	_ =	swait.ge [sflag:s13], $0x10000  }
0x4c9: {  	[sflag:s13] =	ssyncset.done $0x0  }
0x4ca: {  	[sflag:s13] =	ssyncadd.s32 $0xFFFF0000  }
0x4cb: {  	_ =	sfence.sel $0x180000  }
0x4cc: {  	[bflag:$0x0] =	sbarrier.arrive $0xFFFF  }
0x4cd: {  	p0 =	sne.s32 s1, $0x0;
	_ =	strace $0x90000047  }
0x4ce: {  	s0 =	sadd.s32 @!p0 $0x100000, s0;
	[bflag:$0x2] =	sbarrier.arrive $0xFFFF  }
0x4cf: {  	[sflag:s0] =	ssyncadd.tile.s32 @!p0 $0x1;
	_ =	shalt  }
.Lfunc_end2:
_tile_overlayer_lowered:
.L_overlay_start_2:
0x4d0: {  	(tag) =	ssettag $0x2  }
0x4d1: {  	s0 =	rddreg [dreg:$0x0];
	s2 =	stileid.u32  }
0x4d2: {  	s1 =	rddreg [dreg:$0x1];
	p0 =	sne.s32 s2, $0x0  }
0x4d3: {  	s3 =	rddreg [dreg:$0x2];
	[bflag:$0x3] =	sbarrier.arrive $0xFFFF;
	s2 =	simm.s32 @!p0 $0x1C02  }
0x4d4: {  	[timem:s3], [sflag:s2] =	dma.local @!p0 [hbm:s0], s1  }
0x4d5: {  	s0 =	simm.s32 @!p0 $0x2  }
0x4d6: {  	_ =	swait.ge @!p0 [sflag:s0], s1  }
0x4d7: {  	s1 =	ssub.s32 @!p0 $0x0, s1;
	[sflag:s0] =	ssyncset.done @!p0 $0x0  }
0x4d8: {  	[sflag:s0] =	ssyncadd.s32 @!p0 s1  }
0x4d9: {  	[bflag:$0x3] =	sbarrier.arrive $0xFFFF  }
0x4da: {  	_ =	shalt  }

</sc_bundles>
